<compile_context>
chip_gen: v7x
topology: tpu7x:2x2x1
jax: 0.10.2.dev20260603
libtpu: 0.0.44.dev20260713+nightly
codegen_flags: <defaults>
</compile_context>

<pallas_src>
import functools

import jax
import jax.numpy as jnp
from jax import lax
from jax.experimental import pallas as pl
from jax.experimental.pallas import tpu as pltpu
from jax.experimental.pallas import tpu_sc as plsc

N = 10000
E = 160000
D = 256
H = 512
DH = D // 2

NC = 2
NS = 16
CHUNK = 125
EPT = E // NS
NCHUNK = EPT // CHUNK
HCHUNK = NCHUNK // 2
NROW = N
ROW_STEP = 624
ROW_LEN = 640

_sc_mesh = plsc.VectorSubcoreMesh(core_axis_name="c", subcore_axis_name="s")


@functools.partial(
    pl.kernel,
    out_type=jax.ShapeDtypeStruct((NC, N, DH), jnp.float32),
    mesh=_sc_mesh,
    scratch_types=[
        pltpu.VMEM((HCHUNK, CHUNK), jnp.int32),
        pltpu.VMEM((HCHUNK, CHUNK), jnp.int32),
        pltpu.VMEM((CHUNK, DH), jnp.float32),
        pltpu.VMEM((CHUNK, DH), jnp.float32),
        pltpu.VMEM_SHARED((NROW, DH), jnp.float32),
        pltpu.SemaphoreType.DMA,
        pltpu.SemaphoreType.DMA,
    ],
)
def _sc_aggregate(src_hbm, dst_hbm, h2_hbm, zeros_hbm, out_hbm,
                  src_v, dst_v, rows_v0, rows_v1, agg_sh, sem0, sem1):
    c = lax.axis_index("c")
    s = lax.axis_index("s")
    row0 = s * ROW_STEP

    def stage_idx(phase):
        pltpu.sync_copy(src_hbm.at[c, s, pl.ds(phase * HCHUNK, HCHUNK)], src_v)
        pltpu.sync_copy(dst_hbm.at[s, pl.ds(phase * HCHUNK, HCHUNK)], dst_v)

    stage_idx(0)
    pltpu.sync_copy(zeros_hbm, agg_sh.at[pl.ds(row0, ROW_LEN)])
    plsc.subcore_barrier()

    def run_half(phase):
        if phase:
            stage_idx(phase)
        pltpu.async_copy(h2_hbm.at[src_v.at[0]], rows_v0, sem0)

        def u_body(u, carry):
            j0 = 2 * u
            j1 = j0 + 1
            pltpu.async_copy(h2_hbm.at[src_v.at[j1]], rows_v1, sem1)
            pltpu.make_async_copy(h2_hbm.at[src_v.at[j0]], rows_v0, sem0).wait()
            pltpu.sync_copy(rows_v0, agg_sh.at[dst_v.at[j0]], add=True)
            jn = lax.min(j0 + 2, HCHUNK - 1)
            pltpu.async_copy(h2_hbm.at[src_v.at[jn]], rows_v0, sem0)
            pltpu.make_async_copy(h2_hbm.at[src_v.at[j1]], rows_v1, sem1).wait()
            pltpu.sync_copy(rows_v1, agg_sh.at[dst_v.at[j1]], add=True)
            return carry

        lax.fori_loop(0, HCHUNK // 2, u_body, 0)
        pltpu.make_async_copy(h2_hbm.at[src_v.at[0]], rows_v0, sem0).wait()

    run_half(0)
    run_half(1)
    plsc.subcore_barrier()

    pltpu.sync_copy(agg_sh.at[pl.ds(row0, ROW_LEN)],
                    out_hbm.at[c, pl.ds(row0, ROW_LEN)])


_ROW_BLK = 2000


def _tc_matmul_body(a0_ref, a1_ref, w_ref, b_ref, o_ref):
    w = w_ref[...]
    acc = lax.dot_general(a0_ref[0], w[:, :DH],
                          (((1,), (1,)), ((), ())),
                          preferred_element_type=jnp.float32)
    acc += lax.dot_general(a1_ref[0], w[:, DH:],
                           (((1,), (1,)), ((), ())),
                           preferred_element_type=jnp.float32)
    o_ref[...] = acc + b_ref[...]


@jax.jit
def kernel(edge_index, h, W, b):
    src = edge_index[0]
    dst = edge_index[1]
    src_t = src.reshape(NS, NCHUNK, CHUNK)
    src2 = jnp.stack([2 * src_t, 2 * src_t + 1])
    dst_t = dst.reshape(NS, NCHUNK, CHUNK)
    h2 = h.reshape(2 * N, DH)
    zeros = jnp.zeros((ROW_LEN, DH), jnp.float32)

    agg2 = _sc_aggregate(src2, dst_t, h2, zeros)

    out = pl.pallas_call(
        _tc_matmul_body,
        grid=(N // _ROW_BLK,),
        in_specs=[
            pl.BlockSpec((1, _ROW_BLK, DH), lambda i: (0, i, 0)),
            pl.BlockSpec((1, _ROW_BLK, DH), lambda i: (1, i, 0)),
            pl.BlockSpec((H, D), lambda i: (0, 0)),
            pl.BlockSpec((1, H), lambda i: (0, 0)),
        ],
        out_specs=pl.BlockSpec((_ROW_BLK, H), lambda i: (i, 0)),
        out_shape=jax.ShapeDtypeStruct((N, H), jnp.float32),
    )(agg2, agg2, W, b.reshape(1, H))
    return out

# --- scband reference (transcript-rebuilt; emitter-appended) ---
"""Pipeline reference for scband-graph-convolutional-layer-22789096473442 (READ-ONLY COPY).

The authoritative reference and input builder live on the scoring server;
editing this copy changes nothing except your own understanding.
"""

import jax, jax.numpy as jnp
import numpy as np

N = 10000
E = 160000
D = 256
H = 512

def setup_inputs(seed: int = 0) -> dict:
    key = jax.random.key(seed)
    k1, k2, k3, k4 = jax.random.split(key, 4)
    edge_index = jax.random.randint(k1, (2, E), 0, N, dtype=jnp.int32)
    h = jax.random.normal(k2, (N, D), dtype=jnp.float32)
    W = jax.random.normal(k3, (H, D), dtype=jnp.float32) * 0.05
    b = jax.random.normal(k4, (H,), dtype=jnp.float32) * 0.01
    return {"edge_index": edge_index, "h": h, "W": W, "b": b}

def reference(edge_index, h, W, b):
    # DGL copy_u + sum: aggregate source features into destination nodes
    src = edge_index[0]
    dst = edge_index[1]
    msgs = jnp.take(h, src, axis=0)              # gather: copy_u('h','m')
    agg = jax.ops.segment_sum(msgs, dst, num_segments=N)  # fn.sum('m','h')
    # nn.Linear(input_dim, h_dim)
    out = agg @ W.T + b
    return out

if __name__ == "__main__":
    import jax
    _d = setup_inputs()
    print(jax.jit(kernel)(*tuple(_d.values())))

</pallas_src>

<mosaic_0001>
#map = affine_map<(d0, d1) -> (0, 0, 0, 0)>
#map1 = affine_map<(d0, d1) -> (0, 0, 0)>
#map2 = affine_map<(d0, d1) -> (0, 0)>
module attributes {stable_mosaic.version = 14 : i64} {
  func.func @_sc_aggregate(%arg0: i32, %arg1: i32, %arg2: memref<2x16x80x125xi32, #tpu.memory_space<hbm>>, %arg3: memref<16x80x125xi32, #tpu.memory_space<hbm>>, %arg4: memref<20000x128xf32, #tpu.memory_space<hbm>>, %arg5: memref<640x128xf32, #tpu.memory_space<hbm>>, %arg6: memref<2x10000x128xf32, #tpu.memory_space<hbm>>, %arg7: memref<40x125xi32, #tpu.memory_space<vmem>>, %arg8: memref<40x125xi32, #tpu.memory_space<vmem>>, %arg9: memref<125x128xf32, #tpu.memory_space<vmem>>, %arg10: memref<125x128xf32, #tpu.memory_space<vmem>>, %arg11: memref<10000x128xf32, #tpu.memory_space<vmem_shared>>, %arg12: memref<!tpu.dma_semaphore, #tpu.memory_space<semaphore_mem>>, %arg13: memref<!tpu.dma_semaphore, #tpu.memory_space<semaphore_mem>>) attributes {dimension_semantics = [#tpu.dimension_semantics<core_parallel>, #tpu.dimension_semantics<subcore_parallel>], iteration_bounds = array<i64: 2, 16>, scalar_prefetch = 0 : i64, scratch_operands = 7 : i64, tpu.core_type = #tpu.core_type<sc_vector_subcore>, window_params = [{transform_indices = #map}, {transform_indices = #map1}, {transform_indices = #map2}, {transform_indices = #map2}, {transform_indices = #map1}]} {
    %mul3A = arith.constant 624 : i32
    %mul3A_0 = arith.muli %arg1, %mul3A : i32
    "tpu.region"() ({
      %run_scoped3A = tpu.sem_alloc : memref<!tpu.dma_semaphore, #tpu.memory_space<semaphore_mem>>
      %dma_start3A_39 = arith.constant 0 : i32
      %dma_start3A_40 = arith.constant 0 : i32
      %dma_start3A_41 = tpu.memref_slice %arg2[%arg0, %arg1, %dma_start3A_39, %dma_start3A_40] : memref<2x16x80x125xi32, #tpu.memory_space<hbm>> -> memref<1x1x40x125xi32, #tpu.memory_space<hbm>>
      %dma_start3A_42 = tpu.memref_squeeze %dma_start3A_41 : memref<1x1x40x125xi32, #tpu.memory_space<hbm>> -> memref<40x125xi32, #tpu.memory_space<hbm>>
      %dma_start3A_43 = arith.constant 0 : i32
      %dma_start3A_44 = arith.constant 0 : i32
      %dma_start3A_45 = tpu.memref_slice %arg2[%arg0, %arg1, %dma_start3A_43, %dma_start3A_44] : memref<2x16x80x125xi32, #tpu.memory_space<hbm>> -> memref<1x1x40x125xi32, #tpu.memory_space<hbm>>
      %dma_start3A_46 = tpu.memref_squeeze %dma_start3A_45 : memref<1x1x40x125xi32, #tpu.memory_space<hbm>> -> memref<40x125xi32, #tpu.memory_space<hbm>>
      tpu.enqueue_dma source(%dma_start3A_46 : memref<40x125xi32, #tpu.memory_space<hbm>>) target(%arg7 : memref<40x125xi32, #tpu.memory_space<vmem>>) target_semaphore(%run_scoped3A : memref<!tpu.dma_semaphore, #tpu.memory_space<semaphore_mem>>)
      %dma_wait3A_47 = arith.constant 0 : i32
      %dma_wait3A_48 = arith.constant 0 : i32
      %dma_wait3A_49 = tpu.memref_slice %arg2[%arg0, %arg1, %dma_wait3A_47, %dma_wait3A_48] : memref<2x16x80x125xi32, #tpu.memory_space<hbm>> -> memref<1x1x40x125xi32, #tpu.memory_space<hbm>>
      %dma_wait3A_50 = tpu.memref_squeeze %dma_wait3A_49 : memref<1x1x40x125xi32, #tpu.memory_space<hbm>> -> memref<40x125xi32, #tpu.memory_space<hbm>>
      %dma_wait3A_51 = arith.constant 0 : i32
      %dma_wait3A_52 = arith.constant 0 : i32
      %dma_wait3A_53 = tpu.memref_slice %arg2[%arg0, %arg1, %dma_wait3A_51, %dma_wait3A_52] : memref<2x16x80x125xi32, #tpu.memory_space<hbm>> -> memref<1x1x40x125xi32, #tpu.memory_space<hbm>>
      %dma_wait3A_54 = tpu.memref_squeeze %dma_wait3A_53 : memref<1x1x40x125xi32, #tpu.memory_space<hbm>> -> memref<40x125xi32, #tpu.memory_space<hbm>>
      tpu.wait_dma2 semaphore(%run_scoped3A : memref<!tpu.dma_semaphore, #tpu.memory_space<semaphore_mem>>) src(%dma_wait3A_54 : memref<40x125xi32, #tpu.memory_space<hbm>>) dst(%arg7 : memref<40x125xi32, #tpu.memory_space<vmem>>)
      tpu.yield
    }) : () -> ()
    "tpu.region"() ({
      %run_scoped3A = tpu.sem_alloc : memref<!tpu.dma_semaphore, #tpu.memory_space<semaphore_mem>>
      %dma_start3A_39 = arith.constant 0 : i32
      %dma_start3A_40 = arith.constant 0 : i32
      %dma_start3A_41 = tpu.memref_slice %arg3[%arg1, %dma_start3A_39, %dma_start3A_40] : memref<16x80x125xi32, #tpu.memory_space<hbm>> -> memref<1x40x125xi32, #tpu.memory_space<hbm>>
      %dma_start3A_42 = tpu.memref_squeeze %dma_start3A_41 : memref<1x40x125xi32, #tpu.memory_space<hbm>> -> memref<40x125xi32, #tpu.memory_space<hbm>>
      %dma_start3A_43 = arith.constant 0 : i32
      %dma_start3A_44 = arith.constant 0 : i32
      %dma_start3A_45 = tpu.memref_slice %arg3[%arg1, %dma_start3A_43, %dma_start3A_44] : memref<16x80x125xi32, #tpu.memory_space<hbm>> -> memref<1x40x125xi32, #tpu.memory_space<hbm>>
      %dma_start3A_46 = tpu.memref_squeeze %dma_start3A_45 : memref<1x40x125xi32, #tpu.memory_space<hbm>> -> memref<40x125xi32, #tpu.memory_space<hbm>>
      tpu.enqueue_dma source(%dma_start3A_46 : memref<40x125xi32, #tpu.memory_space<hbm>>) target(%arg8 : memref<40x125xi32, #tpu.memory_space<vmem>>) target_semaphore(%run_scoped3A : memref<!tpu.dma_semaphore, #tpu.memory_space<semaphore_mem>>)
      %dma_wait3A_47 = arith.constant 0 : i32
      %dma_wait3A_48 = arith.constant 0 : i32
      %dma_wait3A_49 = tpu.memref_slice %arg3[%arg1, %dma_wait3A_47, %dma_wait3A_48] : memref<16x80x125xi32, #tpu.memory_space<hbm>> -> memref<1x40x125xi32, #tpu.memory_space<hbm>>
      %dma_wait3A_50 = tpu.memref_squeeze %dma_wait3A_49 : memref<1x40x125xi32, #tpu.memory_space<hbm>> -> memref<40x125xi32, #tpu.memory_space<hbm>>
      %dma_wait3A_51 = arith.constant 0 : i32
      %dma_wait3A_52 = arith.constant 0 : i32
      %dma_wait3A_53 = tpu.memref_slice %arg3[%arg1, %dma_wait3A_51, %dma_wait3A_52] : memref<16x80x125xi32, #tpu.memory_space<hbm>> -> memref<1x40x125xi32, #tpu.memory_space<hbm>>
      %dma_wait3A_54 = tpu.memref_squeeze %dma_wait3A_53 : memref<1x40x125xi32, #tpu.memory_space<hbm>> -> memref<40x125xi32, #tpu.memory_space<hbm>>
      tpu.wait_dma2 semaphore(%run_scoped3A : memref<!tpu.dma_semaphore, #tpu.memory_space<semaphore_mem>>) src(%dma_wait3A_54 : memref<40x125xi32, #tpu.memory_space<hbm>>) dst(%arg8 : memref<40x125xi32, #tpu.memory_space<vmem>>)
      tpu.yield
    }) : () -> ()
    "tpu.region"() ({
      %run_scoped3A = tpu.sem_alloc : memref<!tpu.dma_semaphore, #tpu.memory_space<semaphore_mem>>
      %dma_start3A_39 = arith.constant 0 : i32
      %dma_start3A_40 = tpu.memref_slice %arg11[%mul3A_0, %dma_start3A_39] : memref<10000x128xf32, #tpu.memory_space<vmem_shared>> -> memref<640x128xf32, #tpu.memory_space<vmem_shared>>
      tpu.enqueue_dma source(%arg5 : memref<640x128xf32, #tpu.memory_space<hbm>>) target(%dma_start3A_40 : memref<640x128xf32, #tpu.memory_space<vmem_shared>>) target_semaphore(%run_scoped3A : memref<!tpu.dma_semaphore, #tpu.memory_space<semaphore_mem>>)
      %dma_wait3A_41 = arith.constant 0 : i32
      %dma_wait3A_42 = tpu.memref_slice %arg11[%mul3A_0, %dma_wait3A_41] : memref<10000x128xf32, #tpu.memory_space<vmem_shared>> -> memref<640x128xf32, #tpu.memory_space<vmem_shared>>
      tpu.wait_dma2 semaphore(%run_scoped3A : memref<!tpu.dma_semaphore, #tpu.memory_space<semaphore_mem>>) src(%arg5 : memref<640x128xf32, #tpu.memory_space<hbm>>) dst(%dma_wait3A_42 : memref<640x128xf32, #tpu.memory_space<vmem_shared>>)
      tpu.yield
    }) : () -> ()
    %barrier3A = arith.constant 0 : index
    tpu.barrier barrier_id(%barrier3A)
    %dma_start3A = arith.constant 0 : i32
    %dma_start3A_1 = arith.constant 0 : i32
    %dma_start3A_2 = tpu.memref_slice %arg7[%dma_start3A, %dma_start3A_1] : memref<40x125xi32, #tpu.memory_space<vmem>> -> memref<1x125xi32, #tpu.memory_space<vmem>>
    %dma_start3A_3 = tpu.memref_squeeze %dma_start3A_2 : memref<1x125xi32, #tpu.memory_space<vmem>> -> memref<125xi32, #tpu.memory_space<vmem>>
    %dma_start3A_4 = arith.constant 0 : i32
    %dma_start3A_5 = arith.constant 0 : i32
    %dma_start3A_6 = tpu.memref_slice %arg4[%dma_start3A_4, %dma_start3A_5] : memref<20000x128xf32, #tpu.memory_space<hbm>> -> memref<20000x128xf32, #tpu.memory_space<hbm>>
    tpu.enqueue_indirect_dma source(%dma_start3A_6 : memref<20000x128xf32, #tpu.memory_space<hbm>>) target(%arg9 : memref<125x128xf32, #tpu.memory_space<vmem>>) offsets(%dma_start3A_3 : memref<125xi32, #tpu.memory_space<vmem>>) semaphore(%arg12 : memref<!tpu.dma_semaphore, #tpu.memory_space<semaphore_mem>>)
    %scan3A = arith.constant 0 : i32
    %scan3A_7 = arith.constant 0 : i32
    %scan3A_8 = arith.constant 20 : i32
    %scan3A_9 = arith.addi %scan3A_7, %scan3A_8 : i32
    %scan3A_10 = arith.constant 1 : i32
    scf.for %scan3A_39 = %scan3A_7 to %scan3A_9 step %scan3A_10  : i32 {
      %mul3A_40 = arith.constant 2 : i32
      %mul3A_41 = arith.muli %mul3A_40, %scan3A_39 : i32
      %add3A = arith.constant 1 : i32
      %add3A_42 = arith.addi %mul3A_41, %add3A : i32
      %dma_start3A_43 = arith.constant 0 : i32
      %dma_start3A_44 = tpu.memref_slice %arg7[%add3A_42, %dma_start3A_43] : memref<40x125xi32, #tpu.memory_space<vmem>> -> memref<1x125xi32, #tpu.memory_space<vmem>>
      %dma_start3A_45 = tpu.memref_squeeze %dma_start3A_44 : memref<1x125xi32, #tpu.memory_space<vmem>> -> memref<125xi32, #tpu.memory_space<vmem>>
      %dma_start3A_46 = arith.constant 0 : i32
      %dma_start3A_47 = arith.constant 0 : i32
      %dma_start3A_48 = tpu.memref_slice %arg4[%dma_start3A_46, %dma_start3A_47] : memref<20000x128xf32, #tpu.memory_space<hbm>> -> memref<20000x128xf32, #tpu.memory_space<hbm>>
      tpu.enqueue_indirect_dma source(%dma_start3A_48 : memref<20000x128xf32, #tpu.memory_space<hbm>>) target(%arg10 : memref<125x128xf32, #tpu.memory_space<vmem>>) offsets(%dma_start3A_45 : memref<125xi32, #tpu.memory_space<vmem>>) semaphore(%arg13 : memref<!tpu.dma_semaphore, #tpu.memory_space<semaphore_mem>>)
      %dma_wait3A_49 = arith.constant 0 : i32
      %dma_wait3A_50 = tpu.memref_slice %arg7[%mul3A_41, %dma_wait3A_49] : memref<40x125xi32, #tpu.memory_space<vmem>> -> memref<1x125xi32, #tpu.memory_space<vmem>>
      %dma_wait3A_51 = tpu.memref_squeeze %dma_wait3A_50 : memref<1x125xi32, #tpu.memory_space<vmem>> -> memref<125xi32, #tpu.memory_space<vmem>>
      %dma_wait3A_52 = arith.constant 0 : i32
      %dma_wait3A_53 = arith.constant 0 : i32
      %dma_wait3A_54 = tpu.memref_slice %arg4[%dma_wait3A_52, %dma_wait3A_53] : memref<20000x128xf32, #tpu.memory_space<hbm>> -> memref<20000x128xf32, #tpu.memory_space<hbm>>
      tpu.wait_indirect_dma semaphore(%arg12 : memref<!tpu.dma_semaphore, #tpu.memory_space<semaphore_mem>>) src(%dma_wait3A_54 : memref<20000x128xf32, #tpu.memory_space<hbm>>) dst(%arg9 : memref<125x128xf32, #tpu.memory_space<vmem>>)
      "tpu.region"() ({
        %run_scoped3A = tpu.sem_alloc : memref<!tpu.dma_semaphore, #tpu.memory_space<semaphore_mem>>
        %dma_start3A_70 = arith.constant 0 : i32
        %dma_start3A_71 = tpu.memref_slice %arg8[%mul3A_41, %dma_start3A_70] : memref<40x125xi32, #tpu.memory_space<vmem>> -> memref<1x125xi32, #tpu.memory_space<vmem>>
        %dma_start3A_72 = tpu.memref_squeeze %dma_start3A_71 : memref<1x125xi32, #tpu.memory_space<vmem>> -> memref<125xi32, #tpu.memory_space<vmem>>
        %dma_start3A_73 = arith.constant 0 : i32
        %dma_start3A_74 = arith.constant 0 : i32
        %dma_start3A_75 = tpu.memref_slice %arg11[%dma_start3A_73, %dma_start3A_74] : memref<10000x128xf32, #tpu.memory_space<vmem_shared>> -> memref<10000x128xf32, #tpu.memory_space<vmem_shared>>
        tpu.enqueue_indirect_dma source(%arg9 : memref<125x128xf32, #tpu.memory_space<vmem>>) target(%dma_start3A_75 : memref<10000x128xf32, #tpu.memory_space<vmem_shared>>) offsets(%dma_start3A_72 : memref<125xi32, #tpu.memory_space<vmem>>) semaphore(%run_scoped3A : memref<!tpu.dma_semaphore, #tpu.memory_space<semaphore_mem>>) {add = true}
        %dma_wait3A_76 = arith.constant 0 : i32
        %dma_wait3A_77 = tpu.memref_slice %arg8[%mul3A_41, %dma_wait3A_76] : memref<40x125xi32, #tpu.memory_space<vmem>> -> memref<1x125xi32, #tpu.memory_space<vmem>>
        %dma_wait3A_78 = tpu.memref_squeeze %dma_wait3A_77 : memref<1x125xi32, #tpu.memory_space<vmem>> -> memref<125xi32, #tpu.memory_space<vmem>>
        %dma_wait3A_79 = arith.constant 0 : i32
        %dma_wait3A_80 = arith.constant 0 : i32
        %dma_wait3A_81 = tpu.memref_slice %arg11[%dma_wait3A_79, %dma_wait3A_80] : memref<10000x128xf32, #tpu.memory_space<vmem_shared>> -> memref<10000x128xf32, #tpu.memory_space<vmem_shared>>
        tpu.wait_indirect_dma semaphore(%run_scoped3A : memref<!tpu.dma_semaphore, #tpu.memory_space<semaphore_mem>>) src(%arg9 : memref<125x128xf32, #tpu.memory_space<vmem>>) dst(%dma_wait3A_81 : memref<10000x128xf32, #tpu.memory_space<vmem_shared>>)
        tpu.yield
      }) : () -> ()
      %add3A_55 = arith.constant 2 : i32
      %add3A_56 = arith.addi %mul3A_41, %add3A_55 : i32
      %min3A = arith.constant 39 : i32
      %min3A_57 = arith.minsi %add3A_56, %min3A : i32
      %dma_start3A_58 = arith.constant 0 : i32
      %dma_start3A_59 = tpu.memref_slice %arg7[%min3A_57, %dma_start3A_58] : memref<40x125xi32, #tpu.memory_space<vmem>> -> memref<1x125xi32, #tpu.memory_space<vmem>>
      %dma_start3A_60 = tpu.memref_squeeze %dma_start3A_59 : memref<1x125xi32, #tpu.memory_space<vmem>> -> memref<125xi32, #tpu.memory_space<vmem>>
      %dma_start3A_61 = arith.constant 0 : i32
      %dma_start3A_62 = arith.constant 0 : i32
      %dma_start3A_63 = tpu.memref_slice %arg4[%dma_start3A_61, %dma_start3A_62] : memref<20000x128xf32, #tpu.memory_space<hbm>> -> memref<20000x128xf32, #tpu.memory_space<hbm>>
      tpu.enqueue_indirect_dma source(%dma_start3A_63 : memref<20000x128xf32, #tpu.memory_space<hbm>>) target(%arg9 : memref<125x128xf32, #tpu.memory_space<vmem>>) offsets(%dma_start3A_60 : memref<125xi32, #tpu.memory_space<vmem>>) semaphore(%arg12 : memref<!tpu.dma_semaphore, #tpu.memory_space<semaphore_mem>>)
      %dma_wait3A_64 = arith.constant 0 : i32
      %dma_wait3A_65 = tpu.memref_slice %arg7[%add3A_42, %dma_wait3A_64] : memref<40x125xi32, #tpu.memory_space<vmem>> -> memref<1x125xi32, #tpu.memory_space<vmem>>
      %dma_wait3A_66 = tpu.memref_squeeze %dma_wait3A_65 : memref<1x125xi32, #tpu.memory_space<vmem>> -> memref<125xi32, #tpu.memory_space<vmem>>
      %dma_wait3A_67 = arith.constant 0 : i32
      %dma_wait3A_68 = arith.constant 0 : i32
      %dma_wait3A_69 = tpu.memref_slice %arg4[%dma_wait3A_67, %dma_wait3A_68] : memref<20000x128xf32, #tpu.memory_space<hbm>> -> memref<20000x128xf32, #tpu.memory_space<hbm>>
      tpu.wait_indirect_dma semaphore(%arg13 : memref<!tpu.dma_semaphore, #tpu.memory_space<semaphore_mem>>) src(%dma_wait3A_69 : memref<20000x128xf32, #tpu.memory_space<hbm>>) dst(%arg10 : memref<125x128xf32, #tpu.memory_space<vmem>>)
      "tpu.region"() ({
        %run_scoped3A = tpu.sem_alloc : memref<!tpu.dma_semaphore, #tpu.memory_space<semaphore_mem>>
        %dma_start3A_70 = arith.constant 0 : i32
        %dma_start3A_71 = tpu.memref_slice %arg8[%add3A_42, %dma_start3A_70] : memref<40x125xi32, #tpu.memory_space<vmem>> -> memref<1x125xi32, #tpu.memory_space<vmem>>
        %dma_start3A_72 = tpu.memref_squeeze %dma_start3A_71 : memref<1x125xi32, #tpu.memory_space<vmem>> -> memref<125xi32, #tpu.memory_space<vmem>>
        %dma_start3A_73 = arith.constant 0 : i32
        %dma_start3A_74 = arith.constant 0 : i32
        %dma_start3A_75 = tpu.memref_slice %arg11[%dma_start3A_73, %dma_start3A_74] : memref<10000x128xf32, #tpu.memory_space<vmem_shared>> -> memref<10000x128xf32, #tpu.memory_space<vmem_shared>>
        tpu.enqueue_indirect_dma source(%arg10 : memref<125x128xf32, #tpu.memory_space<vmem>>) target(%dma_start3A_75 : memref<10000x128xf32, #tpu.memory_space<vmem_shared>>) offsets(%dma_start3A_72 : memref<125xi32, #tpu.memory_space<vmem>>) semaphore(%run_scoped3A : memref<!tpu.dma_semaphore, #tpu.memory_space<semaphore_mem>>) {add = true}
        %dma_wait3A_76 = arith.constant 0 : i32
        %dma_wait3A_77 = tpu.memref_slice %arg8[%add3A_42, %dma_wait3A_76] : memref<40x125xi32, #tpu.memory_space<vmem>> -> memref<1x125xi32, #tpu.memory_space<vmem>>
        %dma_wait3A_78 = tpu.memref_squeeze %dma_wait3A_77 : memref<1x125xi32, #tpu.memory_space<vmem>> -> memref<125xi32, #tpu.memory_space<vmem>>
        %dma_wait3A_79 = arith.constant 0 : i32
        %dma_wait3A_80 = arith.constant 0 : i32
        %dma_wait3A_81 = tpu.memref_slice %arg11[%dma_wait3A_79, %dma_wait3A_80] : memref<10000x128xf32, #tpu.memory_space<vmem_shared>> -> memref<10000x128xf32, #tpu.memory_space<vmem_shared>>
        tpu.wait_indirect_dma semaphore(%run_scoped3A : memref<!tpu.dma_semaphore, #tpu.memory_space<semaphore_mem>>) src(%arg10 : memref<125x128xf32, #tpu.memory_space<vmem>>) dst(%dma_wait3A_81 : memref<10000x128xf32, #tpu.memory_space<vmem_shared>>)
        tpu.yield
      }) : () -> ()
    }
    %scan3A_11 = arith.constant 20 : i32
    %dma_wait3A = arith.constant 0 : i32
    %dma_wait3A_12 = arith.constant 0 : i32
    %dma_wait3A_13 = tpu.memref_slice %arg7[%dma_wait3A, %dma_wait3A_12] : memref<40x125xi32, #tpu.memory_space<vmem>> -> memref<1x125xi32, #tpu.memory_space<vmem>>
    %dma_wait3A_14 = tpu.memref_squeeze %dma_wait3A_13 : memref<1x125xi32, #tpu.memory_space<vmem>> -> memref<125xi32, #tpu.memory_space<vmem>>
    %dma_wait3A_15 = arith.constant 0 : i32
    %dma_wait3A_16 = arith.constant 0 : i32
    %dma_wait3A_17 = tpu.memref_slice %arg4[%dma_wait3A_15, %dma_wait3A_16] : memref<20000x128xf32, #tpu.memory_space<hbm>> -> memref<20000x128xf32, #tpu.memory_space<hbm>>
    tpu.wait_indirect_dma semaphore(%arg12 : memref<!tpu.dma_semaphore, #tpu.memory_space<semaphore_mem>>) src(%dma_wait3A_17 : memref<20000x128xf32, #tpu.memory_space<hbm>>) dst(%arg9 : memref<125x128xf32, #tpu.memory_space<vmem>>)
    "tpu.region"() ({
      %run_scoped3A = tpu.sem_alloc : memref<!tpu.dma_semaphore, #tpu.memory_space<semaphore_mem>>
      %dma_start3A_39 = arith.constant 40 : i32
      %dma_start3A_40 = arith.constant 0 : i32
      %dma_start3A_41 = tpu.memref_slice %arg2[%arg0, %arg1, %dma_start3A_39, %dma_start3A_40] : memref<2x16x80x125xi32, #tpu.memory_space<hbm>> -> memref<1x1x40x125xi32, #tpu.memory_space<hbm>>
      %dma_start3A_42 = tpu.memref_squeeze %dma_start3A_41 : memref<1x1x40x125xi32, #tpu.memory_space<hbm>> -> memref<40x125xi32, #tpu.memory_space<hbm>>
      %dma_start3A_43 = arith.constant 40 : i32
      %dma_start3A_44 = arith.constant 0 : i32
      %dma_start3A_45 = tpu.memref_slice %arg2[%arg0, %arg1, %dma_start3A_43, %dma_start3A_44] : memref<2x16x80x125xi32, #tpu.memory_space<hbm>> -> memref<1x1x40x125xi32, #tpu.memory_space<hbm>>
      %dma_start3A_46 = tpu.memref_squeeze %dma_start3A_45 : memref<1x1x40x125xi32, #tpu.memory_space<hbm>> -> memref<40x125xi32, #tpu.memory_space<hbm>>
      tpu.enqueue_dma source(%dma_start3A_46 : memref<40x125xi32, #tpu.memory_space<hbm>>) target(%arg7 : memref<40x125xi32, #tpu.memory_space<vmem>>) target_semaphore(%run_scoped3A : memref<!tpu.dma_semaphore, #tpu.memory_space<semaphore_mem>>)
      %dma_wait3A_47 = arith.constant 40 : i32
      %dma_wait3A_48 = arith.constant 0 : i32
      %dma_wait3A_49 = tpu.memref_slice %arg2[%arg0, %arg1, %dma_wait3A_47, %dma_wait3A_48] : memref<2x16x80x125xi32, #tpu.memory_space<hbm>> -> memref<1x1x40x125xi32, #tpu.memory_space<hbm>>
      %dma_wait3A_50 = tpu.memref_squeeze %dma_wait3A_49 : memref<1x1x40x125xi32, #tpu.memory_space<hbm>> -> memref<40x125xi32, #tpu.memory_space<hbm>>
      %dma_wait3A_51 = arith.constant 40 : i32
      %dma_wait3A_52 = arith.constant 0 : i32
      %dma_wait3A_53 = tpu.memref_slice %arg2[%arg0, %arg1, %dma_wait3A_51, %dma_wait3A_52] : memref<2x16x80x125xi32, #tpu.memory_space<hbm>> -> memref<1x1x40x125xi32, #tpu.memory_space<hbm>>
      %dma_wait3A_54 = tpu.memref_squeeze %dma_wait3A_53 : memref<1x1x40x125xi32, #tpu.memory_space<hbm>> -> memref<40x125xi32, #tpu.memory_space<hbm>>
      tpu.wait_dma2 semaphore(%run_scoped3A : memref<!tpu.dma_semaphore, #tpu.memory_space<semaphore_mem>>) src(%dma_wait3A_54 : memref<40x125xi32, #tpu.memory_space<hbm>>) dst(%arg7 : memref<40x125xi32, #tpu.memory_space<vmem>>)
      tpu.yield
    }) : () -> ()
    "tpu.region"() ({
      %run_scoped3A = tpu.sem_alloc : memref<!tpu.dma_semaphore, #tpu.memory_space<semaphore_mem>>
      %dma_start3A_39 = arith.constant 40 : i32
      %dma_start3A_40 = arith.constant 0 : i32
      %dma_start3A_41 = tpu.memref_slice %arg3[%arg1, %dma_start3A_39, %dma_start3A_40] : memref<16x80x125xi32, #tpu.memory_space<hbm>> -> memref<1x40x125xi32, #tpu.memory_space<hbm>>
      %dma_start3A_42 = tpu.memref_squeeze %dma_start3A_41 : memref<1x40x125xi32, #tpu.memory_space<hbm>> -> memref<40x125xi32, #tpu.memory_space<hbm>>
      %dma_start3A_43 = arith.constant 40 : i32
      %dma_start3A_44 = arith.constant 0 : i32
      %dma_start3A_45 = tpu.memref_slice %arg3[%arg1, %dma_start3A_43, %dma_start3A_44] : memref<16x80x125xi32, #tpu.memory_space<hbm>> -> memref<1x40x125xi32, #tpu.memory_space<hbm>>
      %dma_start3A_46 = tpu.memref_squeeze %dma_start3A_45 : memref<1x40x125xi32, #tpu.memory_space<hbm>> -> memref<40x125xi32, #tpu.memory_space<hbm>>
      tpu.enqueue_dma source(%dma_start3A_46 : memref<40x125xi32, #tpu.memory_space<hbm>>) target(%arg8 : memref<40x125xi32, #tpu.memory_space<vmem>>) target_semaphore(%run_scoped3A : memref<!tpu.dma_semaphore, #tpu.memory_space<semaphore_mem>>)
      %dma_wait3A_47 = arith.constant 40 : i32
      %dma_wait3A_48 = arith.constant 0 : i32
      %dma_wait3A_49 = tpu.memref_slice %arg3[%arg1, %dma_wait3A_47, %dma_wait3A_48] : memref<16x80x125xi32, #tpu.memory_space<hbm>> -> memref<1x40x125xi32, #tpu.memory_space<hbm>>
      %dma_wait3A_50 = tpu.memref_squeeze %dma_wait3A_49 : memref<1x40x125xi32, #tpu.memory_space<hbm>> -> memref<40x125xi32, #tpu.memory_space<hbm>>
      %dma_wait3A_51 = arith.constant 40 : i32
      %dma_wait3A_52 = arith.constant 0 : i32
      %dma_wait3A_53 = tpu.memref_slice %arg3[%arg1, %dma_wait3A_51, %dma_wait3A_52] : memref<16x80x125xi32, #tpu.memory_space<hbm>> -> memref<1x40x125xi32, #tpu.memory_space<hbm>>
      %dma_wait3A_54 = tpu.memref_squeeze %dma_wait3A_53 : memref<1x40x125xi32, #tpu.memory_space<hbm>> -> memref<40x125xi32, #tpu.memory_space<hbm>>
      tpu.wait_dma2 semaphore(%run_scoped3A : memref<!tpu.dma_semaphore, #tpu.memory_space<semaphore_mem>>) src(%dma_wait3A_54 : memref<40x125xi32, #tpu.memory_space<hbm>>) dst(%arg8 : memref<40x125xi32, #tpu.memory_space<vmem>>)
      tpu.yield
    }) : () -> ()
    %dma_start3A_18 = arith.constant 0 : i32
    %dma_start3A_19 = arith.constant 0 : i32
    %dma_start3A_20 = tpu.memref_slice %arg7[%dma_start3A_18, %dma_start3A_19] : memref<40x125xi32, #tpu.memory_space<vmem>> -> memref<1x125xi32, #tpu.memory_space<vmem>>
    %dma_start3A_21 = tpu.memref_squeeze %dma_start3A_20 : memref<1x125xi32, #tpu.memory_space<vmem>> -> memref<125xi32, #tpu.memory_space<vmem>>
    %dma_start3A_22 = arith.constant 0 : i32
    %dma_start3A_23 = arith.constant 0 : i32
    %dma_start3A_24 = tpu.memref_slice %arg4[%dma_start3A_22, %dma_start3A_23] : memref<20000x128xf32, #tpu.memory_space<hbm>> -> memref<20000x128xf32, #tpu.memory_space<hbm>>
    tpu.enqueue_indirect_dma source(%dma_start3A_24 : memref<20000x128xf32, #tpu.memory_space<hbm>>) target(%arg9 : memref<125x128xf32, #tpu.memory_space<vmem>>) offsets(%dma_start3A_21 : memref<125xi32, #tpu.memory_space<vmem>>) semaphore(%arg12 : memref<!tpu.dma_semaphore, #tpu.memory_space<semaphore_mem>>)
    %scan3A_25 = arith.constant 0 : i32
    %scan3A_26 = arith.constant 0 : i32
    %scan3A_27 = arith.constant 20 : i32
    %scan3A_28 = arith.addi %scan3A_26, %scan3A_27 : i32
    %scan3A_29 = arith.constant 1 : i32
    scf.for %scan3A_39 = %scan3A_26 to %scan3A_28 step %scan3A_29  : i32 {
      %mul3A_40 = arith.constant 2 : i32
      %mul3A_41 = arith.muli %mul3A_40, %scan3A_39 : i32
      %add3A = arith.constant 1 : i32
      %add3A_42 = arith.addi %mul3A_41, %add3A : i32
      %dma_start3A_43 = arith.constant 0 : i32
      %dma_start3A_44 = tpu.memref_slice %arg7[%add3A_42, %dma_start3A_43] : memref<40x125xi32, #tpu.memory_space<vmem>> -> memref<1x125xi32, #tpu.memory_space<vmem>>
      %dma_start3A_45 = tpu.memref_squeeze %dma_start3A_44 : memref<1x125xi32, #tpu.memory_space<vmem>> -> memref<125xi32, #tpu.memory_space<vmem>>
      %dma_start3A_46 = arith.constant 0 : i32
      %dma_start3A_47 = arith.constant 0 : i32
      %dma_start3A_48 = tpu.memref_slice %arg4[%dma_start3A_46, %dma_start3A_47] : memref<20000x128xf32, #tpu.memory_space<hbm>> -> memref<20000x128xf32, #tpu.memory_space<hbm>>
      tpu.enqueue_indirect_dma source(%dma_start3A_48 : memref<20000x128xf32, #tpu.memory_space<hbm>>) target(%arg10 : memref<125x128xf32, #tpu.memory_space<vmem>>) offsets(%dma_start3A_45 : memref<125xi32, #tpu.memory_space<vmem>>) semaphore(%arg13 : memref<!tpu.dma_semaphore, #tpu.memory_space<semaphore_mem>>)
      %dma_wait3A_49 = arith.constant 0 : i32
      %dma_wait3A_50 = tpu.memref_slice %arg7[%mul3A_41, %dma_wait3A_49] : memref<40x125xi32, #tpu.memory_space<vmem>> -> memref<1x125xi32, #tpu.memory_space<vmem>>
      %dma_wait3A_51 = tpu.memref_squeeze %dma_wait3A_50 : memref<1x125xi32, #tpu.memory_space<vmem>> -> memref<125xi32, #tpu.memory_space<vmem>>
      %dma_wait3A_52 = arith.constant 0 : i32
      %dma_wait3A_53 = arith.constant 0 : i32
      %dma_wait3A_54 = tpu.memref_slice %arg4[%dma_wait3A_52, %dma_wait3A_53] : memref<20000x128xf32, #tpu.memory_space<hbm>> -> memref<20000x128xf32, #tpu.memory_space<hbm>>
      tpu.wait_indirect_dma semaphore(%arg12 : memref<!tpu.dma_semaphore, #tpu.memory_space<semaphore_mem>>) src(%dma_wait3A_54 : memref<20000x128xf32, #tpu.memory_space<hbm>>) dst(%arg9 : memref<125x128xf32, #tpu.memory_space<vmem>>)
      "tpu.region"() ({
        %run_scoped3A = tpu.sem_alloc : memref<!tpu.dma_semaphore, #tpu.memory_space<semaphore_mem>>
        %dma_start3A_70 = arith.constant 0 : i32
        %dma_start3A_71 = tpu.memref_slice %arg8[%mul3A_41, %dma_start3A_70] : memref<40x125xi32, #tpu.memory_space<vmem>> -> memref<1x125xi32, #tpu.memory_space<vmem>>
        %dma_start3A_72 = tpu.memref_squeeze %dma_start3A_71 : memref<1x125xi32, #tpu.memory_space<vmem>> -> memref<125xi32, #tpu.memory_space<vmem>>
        %dma_start3A_73 = arith.constant 0 : i32
        %dma_start3A_74 = arith.constant 0 : i32
        %dma_start3A_75 = tpu.memref_slice %arg11[%dma_start3A_73, %dma_start3A_74] : memref<10000x128xf32, #tpu.memory_space<vmem_shared>> -> memref<10000x128xf32, #tpu.memory_space<vmem_shared>>
        tpu.enqueue_indirect_dma source(%arg9 : memref<125x128xf32, #tpu.memory_space<vmem>>) target(%dma_start3A_75 : memref<10000x128xf32, #tpu.memory_space<vmem_shared>>) offsets(%dma_start3A_72 : memref<125xi32, #tpu.memory_space<vmem>>) semaphore(%run_scoped3A : memref<!tpu.dma_semaphore, #tpu.memory_space<semaphore_mem>>) {add = true}
        %dma_wait3A_76 = arith.constant 0 : i32
        %dma_wait3A_77 = tpu.memref_slice %arg8[%mul3A_41, %dma_wait3A_76] : memref<40x125xi32, #tpu.memory_space<vmem>> -> memref<1x125xi32, #tpu.memory_space<vmem>>
        %dma_wait3A_78 = tpu.memref_squeeze %dma_wait3A_77 : memref<1x125xi32, #tpu.memory_space<vmem>> -> memref<125xi32, #tpu.memory_space<vmem>>
        %dma_wait3A_79 = arith.constant 0 : i32
        %dma_wait3A_80 = arith.constant 0 : i32
        %dma_wait3A_81 = tpu.memref_slice %arg11[%dma_wait3A_79, %dma_wait3A_80] : memref<10000x128xf32, #tpu.memory_space<vmem_shared>> -> memref<10000x128xf32, #tpu.memory_space<vmem_shared>>
        tpu.wait_indirect_dma semaphore(%run_scoped3A : memref<!tpu.dma_semaphore, #tpu.memory_space<semaphore_mem>>) src(%arg9 : memref<125x128xf32, #tpu.memory_space<vmem>>) dst(%dma_wait3A_81 : memref<10000x128xf32, #tpu.memory_space<vmem_shared>>)
        tpu.yield
      }) : () -> ()
      %add3A_55 = arith.constant 2 : i32
      %add3A_56 = arith.addi %mul3A_41, %add3A_55 : i32
      %min3A = arith.constant 39 : i32
      %min3A_57 = arith.minsi %add3A_56, %min3A : i32
      %dma_start3A_58 = arith.constant 0 : i32
      %dma_start3A_59 = tpu.memref_slice %arg7[%min3A_57, %dma_start3A_58] : memref<40x125xi32, #tpu.memory_space<vmem>> -> memref<1x125xi32, #tpu.memory_space<vmem>>
      %dma_start3A_60 = tpu.memref_squeeze %dma_start3A_59 : memref<1x125xi32, #tpu.memory_space<vmem>> -> memref<125xi32, #tpu.memory_space<vmem>>
      %dma_start3A_61 = arith.constant 0 : i32
      %dma_start3A_62 = arith.constant 0 : i32
      %dma_start3A_63 = tpu.memref_slice %arg4[%dma_start3A_61, %dma_start3A_62] : memref<20000x128xf32, #tpu.memory_space<hbm>> -> memref<20000x128xf32, #tpu.memory_space<hbm>>
      tpu.enqueue_indirect_dma source(%dma_start3A_63 : memref<20000x128xf32, #tpu.memory_space<hbm>>) target(%arg9 : memref<125x128xf32, #tpu.memory_space<vmem>>) offsets(%dma_start3A_60 : memref<125xi32, #tpu.memory_space<vmem>>) semaphore(%arg12 : memref<!tpu.dma_semaphore, #tpu.memory_space<semaphore_mem>>)
      %dma_wait3A_64 = arith.constant 0 : i32
      %dma_wait3A_65 = tpu.memref_slice %arg7[%add3A_42, %dma_wait3A_64] : memref<40x125xi32, #tpu.memory_space<vmem>> -> memref<1x125xi32, #tpu.memory_space<vmem>>
      %dma_wait3A_66 = tpu.memref_squeeze %dma_wait3A_65 : memref<1x125xi32, #tpu.memory_space<vmem>> -> memref<125xi32, #tpu.memory_space<vmem>>
      %dma_wait3A_67 = arith.constant 0 : i32
      %dma_wait3A_68 = arith.constant 0 : i32
      %dma_wait3A_69 = tpu.memref_slice %arg4[%dma_wait3A_67, %dma_wait3A_68] : memref<20000x128xf32, #tpu.memory_space<hbm>> -> memref<20000x128xf32, #tpu.memory_space<hbm>>
      tpu.wait_indirect_dma semaphore(%arg13 : memref<!tpu.dma_semaphore, #tpu.memory_space<semaphore_mem>>) src(%dma_wait3A_69 : memref<20000x128xf32, #tpu.memory_space<hbm>>) dst(%arg10 : memref<125x128xf32, #tpu.memory_space<vmem>>)
      "tpu.region"() ({
        %run_scoped3A = tpu.sem_alloc : memref<!tpu.dma_semaphore, #tpu.memory_space<semaphore_mem>>
        %dma_start3A_70 = arith.constant 0 : i32
        %dma_start3A_71 = tpu.memref_slice %arg8[%add3A_42, %dma_start3A_70] : memref<40x125xi32, #tpu.memory_space<vmem>> -> memref<1x125xi32, #tpu.memory_space<vmem>>
        %dma_start3A_72 = tpu.memref_squeeze %dma_start3A_71 : memref<1x125xi32, #tpu.memory_space<vmem>> -> memref<125xi32, #tpu.memory_space<vmem>>
        %dma_start3A_73 = arith.constant 0 : i32
        %dma_start3A_74 = arith.constant 0 : i32
        %dma_start3A_75 = tpu.memref_slice %arg11[%dma_start3A_73, %dma_start3A_74] : memref<10000x128xf32, #tpu.memory_space<vmem_shared>> -> memref<10000x128xf32, #tpu.memory_space<vmem_shared>>
        tpu.enqueue_indirect_dma source(%arg10 : memref<125x128xf32, #tpu.memory_space<vmem>>) target(%dma_start3A_75 : memref<10000x128xf32, #tpu.memory_space<vmem_shared>>) offsets(%dma_start3A_72 : memref<125xi32, #tpu.memory_space<vmem>>) semaphore(%run_scoped3A : memref<!tpu.dma_semaphore, #tpu.memory_space<semaphore_mem>>) {add = true}
        %dma_wait3A_76 = arith.constant 0 : i32
        %dma_wait3A_77 = tpu.memref_slice %arg8[%add3A_42, %dma_wait3A_76] : memref<40x125xi32, #tpu.memory_space<vmem>> -> memref<1x125xi32, #tpu.memory_space<vmem>>
        %dma_wait3A_78 = tpu.memref_squeeze %dma_wait3A_77 : memref<1x125xi32, #tpu.memory_space<vmem>> -> memref<125xi32, #tpu.memory_space<vmem>>
        %dma_wait3A_79 = arith.constant 0 : i32
        %dma_wait3A_80 = arith.constant 0 : i32
        %dma_wait3A_81 = tpu.memref_slice %arg11[%dma_wait3A_79, %dma_wait3A_80] : memref<10000x128xf32, #tpu.memory_space<vmem_shared>> -> memref<10000x128xf32, #tpu.memory_space<vmem_shared>>
        tpu.wait_indirect_dma semaphore(%run_scoped3A : memref<!tpu.dma_semaphore, #tpu.memory_space<semaphore_mem>>) src(%arg10 : memref<125x128xf32, #tpu.memory_space<vmem>>) dst(%dma_wait3A_81 : memref<10000x128xf32, #tpu.memory_space<vmem_shared>>)
        tpu.yield
      }) : () -> ()
    }
    %scan3A_30 = arith.constant 20 : i32
    %dma_wait3A_31 = arith.constant 0 : i32
    %dma_wait3A_32 = arith.constant 0 : i32
    %dma_wait3A_33 = tpu.memref_slice %arg7[%dma_wait3A_31, %dma_wait3A_32] : memref<40x125xi32, #tpu.memory_space<vmem>> -> memref<1x125xi32, #tpu.memory_space<vmem>>
    %dma_wait3A_34 = tpu.memref_squeeze %dma_wait3A_33 : memref<1x125xi32, #tpu.memory_space<vmem>> -> memref<125xi32, #tpu.memory_space<vmem>>
    %dma_wait3A_35 = arith.constant 0 : i32
    %dma_wait3A_36 = arith.constant 0 : i32
    %dma_wait3A_37 = tpu.memref_slice %arg4[%dma_wait3A_35, %dma_wait3A_36] : memref<20000x128xf32, #tpu.memory_space<hbm>> -> memref<20000x128xf32, #tpu.memory_space<hbm>>
    tpu.wait_indirect_dma semaphore(%arg12 : memref<!tpu.dma_semaphore, #tpu.memory_space<semaphore_mem>>) src(%dma_wait3A_37 : memref<20000x128xf32, #tpu.memory_space<hbm>>) dst(%arg9 : memref<125x128xf32, #tpu.memory_space<vmem>>)
    %barrier3A_38 = arith.constant 0 : index
    tpu.barrier barrier_id(%barrier3A_38)
    "tpu.region"() ({
      %run_scoped3A = tpu.sem_alloc : memref<!tpu.dma_semaphore, #tpu.memory_space<semaphore_mem>>
      %dma_start3A_39 = arith.constant 0 : i32
      %dma_start3A_40 = tpu.memref_slice %arg6[%arg0, %mul3A_0, %dma_start3A_39] : memref<2x10000x128xf32, #tpu.memory_space<hbm>> -> memref<1x640x128xf32, #tpu.memory_space<hbm>>
      %dma_start3A_41 = tpu.memref_squeeze %dma_start3A_40 : memref<1x640x128xf32, #tpu.memory_space<hbm>> -> memref<640x128xf32, #tpu.memory_space<hbm>>
      %dma_start3A_42 = arith.constant 0 : i32
      %dma_start3A_43 = tpu.memref_slice %arg11[%mul3A_0, %dma_start3A_42] : memref<10000x128xf32, #tpu.memory_space<vmem_shared>> -> memref<640x128xf32, #tpu.memory_space<vmem_shared>>
      tpu.enqueue_dma source(%dma_start3A_43 : memref<640x128xf32, #tpu.memory_space<vmem_shared>>) target(%dma_start3A_41 : memref<640x128xf32, #tpu.memory_space<hbm>>) target_semaphore(%run_scoped3A : memref<!tpu.dma_semaphore, #tpu.memory_space<semaphore_mem>>)
      %dma_wait3A_44 = arith.constant 0 : i32
      %dma_wait3A_45 = tpu.memref_slice %arg6[%arg0, %mul3A_0, %dma_wait3A_44] : memref<2x10000x128xf32, #tpu.memory_space<hbm>> -> memref<1x640x128xf32, #tpu.memory_space<hbm>>
      %dma_wait3A_46 = tpu.memref_squeeze %dma_wait3A_45 : memref<1x640x128xf32, #tpu.memory_space<hbm>> -> memref<640x128xf32, #tpu.memory_space<hbm>>
      %dma_wait3A_47 = arith.constant 0 : i32
      %dma_wait3A_48 = tpu.memref_slice %arg11[%mul3A_0, %dma_wait3A_47] : memref<10000x128xf32, #tpu.memory_space<vmem_shared>> -> memref<640x128xf32, #tpu.memory_space<vmem_shared>>
      tpu.wait_dma2 semaphore(%run_scoped3A : memref<!tpu.dma_semaphore, #tpu.memory_space<semaphore_mem>>) src(%dma_wait3A_48 : memref<640x128xf32, #tpu.memory_space<vmem_shared>>) dst(%dma_wait3A_46 : memref<640x128xf32, #tpu.memory_space<hbm>>)
      tpu.yield
    }) : () -> ()
    return
  }
}

module attributes {stable_mosaic.version = 14 : i64} {
  func.func @_tc_matmul_body(%arg0: i32, %arg1: memref<1x2000x128xf32, #tpu.memory_space<vmem>>, %arg2: memref<1x2000x128xf32, #tpu.memory_space<vmem>>, %arg3: memref<512x256xf32, #tpu.memory_space<vmem>>, %arg4: memref<1x512xf32, #tpu.memory_space<vmem>>, %arg5: memref<2000x512xf32, #tpu.memory_space<vmem>>) attributes {dimension_semantics = [#tpu.dimension_semantics<arbitrary>], iteration_bounds = array<i64: 5>, scalar_prefetch = 0 : i64, scratch_operands = 0 : i64, tpu.core_type = #tpu.core_type<tc>, window_params = [{transform_indices = @transform_0, window_bounds = array<i64: 1, 2000, 128>}, {transform_indices = @transform_1, window_bounds = array<i64: 1, 2000, 128>}, {pipeline_mode = #tpu.pipeline_mode<synchronous>, transform_indices = @transform_2, window_bounds = array<i64: 512, 256>}, {pipeline_mode = #tpu.pipeline_mode<synchronous>, transform_indices = @transform_3, window_bounds = array<i64: 1, 512>}, {transform_indices = @transform_4, window_bounds = array<i64: 2000, 512>}]} {
    %get3A = arith.constant 0 : index
    %get3A_0 = arith.constant 0 : index
    %get3A_1 = vector.load %arg3[%get3A, %get3A_0] : memref<512x256xf32, #tpu.memory_space<vmem>>, vector<512x256xf32>
    %get3A_2 = arith.constant 0 : index
    %get3A_3 = arith.constant 0 : index
    %get3A_4 = arith.constant 0 : index
    %get3A_5 = vector.load %arg1[%get3A_2, %get3A_3, %get3A_4] : memref<1x2000x128xf32, #tpu.memory_space<vmem>>, vector<1x2000x128xf32>
    %get3A_6 = vector.shape_cast %get3A_5 : vector<1x2000x128xf32> to vector<2000x128xf32>
    %slice3A = vector.extract_strided_slice %get3A_1 {offsets = [0, 0], sizes = [512, 128], strides = [1, 1]} : vector<512x256xf32> to vector<512x128xf32>
    %dot_general3A = arith.constant dense<0.000000e+00> : vector<2000x512xf32>
    %dot_general3A_7 = tpu.matmul %get3A_6, %slice3A, %dot_general3A {dimension_numbers = #tpu.dot_dimension_numbers<[1], [1], [0], [0], [0, 0, 1, 0], [], []>, transpose_lhs_hint = false} : vector<2000x128xf32>, vector<512x128xf32>, vector<2000x512xf32> -> vector<2000x512xf32>
    %get3A_8 = arith.constant 0 : index
    %get3A_9 = arith.constant 0 : index
    %get3A_10 = arith.constant 0 : index
    %get3A_11 = vector.load %arg2[%get3A_8, %get3A_9, %get3A_10] : memref<1x2000x128xf32, #tpu.memory_space<vmem>>, vector<1x2000x128xf32>
    %get3A_12 = vector.shape_cast %get3A_11 : vector<1x2000x128xf32> to vector<2000x128xf32>
    %slice3A_13 = vector.extract_strided_slice %get3A_1 {offsets = [0, 128], sizes = [512, 128], strides = [1, 1]} : vector<512x256xf32> to vector<512x128xf32>
    %dot_general3A_14 = arith.constant dense<0.000000e+00> : vector<2000x512xf32>
    %dot_general3A_15 = tpu.matmul %get3A_12, %slice3A_13, %dot_general3A_14 {dimension_numbers = #tpu.dot_dimension_numbers<[1], [1], [0], [0], [0, 0, 1, 0], [], []>, transpose_lhs_hint = false} : vector<2000x128xf32>, vector<512x128xf32>, vector<2000x512xf32> -> vector<2000x512xf32>
    %add3A = arith.addf %dot_general3A_7, %dot_general3A_15 : vector<2000x512xf32>
    %get3A_16 = arith.constant 0 : index
    %get3A_17 = arith.constant 0 : index
    %get3A_18 = vector.load %arg4[%get3A_16, %get3A_17] : memref<1x512xf32, #tpu.memory_space<vmem>>, vector<1x512xf32>
    %add3A_19 = vector.broadcast %get3A_18 : vector<1x512xf32> to vector<2000x512xf32>
    %add3A_20 = arith.addf %add3A, %add3A_19 : vector<2000x512xf32>
    %swap3A = arith.constant 0 : index
    %swap3A_21 = arith.constant 0 : index
    %swap3A_22 = vector.load %arg5[%swap3A, %swap3A_21] : memref<2000x512xf32, #tpu.memory_space<vmem>>, vector<2000x512xf32>
    tpu.vector_store %arg5[%swap3A, %swap3A_21], %add3A_20 {strides = array<i32>} : memref<2000x512xf32, #tpu.memory_space<vmem>>, vector<2000x512xf32>,
    return
  }
  func.func @transform_0(%arg0: i32) -> (i32, i32, i32) {
    %c0_i32 = arith.constant 0 : i32
    %c0_i32_0 = arith.constant 0 : i32
    %c0_i32_1 = arith.constant 0 : i32
    return %c0_i32, %arg0, %c0_i32_0 : i32, i32, i32
  }
  func.func @transform_1(%arg0: i32) -> (i32, i32, i32) {
    %c1_i32 = arith.constant 1 : i32
    %c0_i32 = arith.constant 0 : i32
    %c0_i32_0 = arith.constant 0 : i32
    return %c1_i32, %arg0, %c0_i32 : i32, i32, i32
  }
  func.func @transform_2(%arg0: i32) -> (i32, i32) {
    %c0_i32 = arith.constant 0 : i32
    %c0_i32_0 = arith.constant 0 : i32
    %c0_i32_1 = arith.constant 0 : i32
    return %c0_i32, %c0_i32_0 : i32, i32
  }
  func.func @transform_3(%arg0: i32) -> (i32, i32) {
    %c0_i32 = arith.constant 0 : i32
    %c0_i32_0 = arith.constant 0 : i32
    %c0_i32_1 = arith.constant 0 : i32
    return %c0_i32, %c0_i32_0 : i32, i32
  }
  func.func @transform_4(%arg0: i32) -> (i32, i32) {
    %c0_i32 = arith.constant 0 : i32
    %c0_i32_0 = arith.constant 0 : i32
    return %arg0, %c0_i32 : i32, i32
  }
}

</mosaic_0001>

<sc_bundles>
// kernel: kernel.4.cloned.1.call-start
scs
__scs_entry_jumppad:
0x0: {  	(pc) =	sbr.rel $0x88, $3  }
0x1: {  	(tag) =	ssettag $0x0;
	lr =	simm.s32 $0x1  }
0x2: {  	[smem:$0x3F9D] =	sst lr;
	_ =	strace $0xD0000000  }
0x3: {  	_ = 	snop  }
0x4: {  	_ = 	snop  }
0x5: {  	_ = 	snop  }
0x6: {  	_ = 	snop  }
0x7: {  	_ = 	snop  }
__scs_overlays_trampoline_lowered:
0x8: {  	[smem:$0x3FAC] =	sst s0  }
0x9: {  	[smem:$0x3FAD] =	sst s1  }
0xa: {  	[smem:$0x3FAE] =	sst s2  }
0xb: {  	[smem:$0x3FAF] =	sst s3  }
0xc: {  	[smem:$0x3FB0] =	sst s4  }
0xd: {  	[smem:$0x3FB1] =	sst s5  }
0xe: {  	[smem:$0x3FB2] =	sst s6  }
0xf: {  	[smem:$0x3FB3] =	sst s7  }
0x10: {  	[smem:$0x3FB4] =	sst s8  }
0x11: {  	[smem:$0x3FB5] =	sst s9;
	s0 =	simm.s32 @!p0 $0x0  }
0x12: {  	s1 =	sld [smem:$0x3F9B];
	s0 =	simm.s32 @p0 $0x1  }
0x13: {  	[smem:$0x3FB6] =	sst s0;
	s0 =	simm.s32 @!p1 $0x0  }
0x14: {  	s2 =	sld [smem:$0x3F9A];
	s0 =	simm.s32 @p1 $0x1  }
0x15: {  	[smem:$0x3FB7] =	sst s0;
	s0 =	simm.s32 @!p2 $0x0  }
0x16: {  	s3 =	sld [smem:$0x3FDB];
	s0 =	simm.s32 @p2 $0x1  }
0x17: {  	s4 =	simm.s32 $0x1BF5;
	[smem:$0x3FB9] =	sst s0  }
0x18: {  	s0 =	sld [smem:$0x3F9C];
	_ =	swait.ge [sflag:s4], $0x0  }
0x19: {  	s7 =	sld [smem:$0x3F9D]  }
0x1a: {  	s8 =	sadd.s32 $0xFFFFE003, lr  }
0x1b: {  	s9 =	sadd.s32 $0xFFFFFEF7, lr;
	s5 =	simm.s32 $0xFFFFFFFF;
	p2 =	slt.u32 s8, $0xFFFFF086  }
0x1c: {  	p1 =	slt.u32 s9, $0xF7A;
	s5 =	simm.s32 @!p2 $0x0  }
0x1d: {  	s5 =	simm.s32 @p1 $0x1;
	p0 =	seq.s32 s7, s2  }
0x1e: {  	s7 =	smul.u32 @!p0 $0xF7A, s2;
	p2 =	seq.s32 @!p0 s5, $0x0  }
0x1f: {  	s9 =	smul.u32 $0xF7A, s1;
	s8 =	simm.s32 @!p0 $0x1BF5;
	p2 =	por !p2, p0  }
0x20: {  	[sflag:s8] =	ssyncset.s32 @!p0 $0xFFFFF086;
	s6 =	sadd.s32 @!p0 s3, s7;
	s7 =	simm.s32 @!p0 $0x108  }
0x21: {  	s3 =	sadd.s32 s3, s9;
	s6 =	sadd.s32 @!p0 $0x88, s6;
	s7 =	simm.s32 @p2 $0x1082  }
0x22: {  	[simem:s7], [sflag:s8] =	dma.local @!p0 [hbm:s6], $0xF7A  }
0x23: {  	s9 =	sor.u32 $0xD0000000, s2;
	s6 =	simm.s32 $0x108;
	_ =	swait.ge @!p0 [sflag:s8], $0x0  }
0x24: {  	s3 =	sadd.s32 $0x88, s3;
	s6 =	simm.s32 @!p1 $0x1082;
	[sflag:s4] =	ssyncset.s32 $0xFFFFF086  }
0x25: {  	[simem:s6], [sflag:s4] =	dma.local [hbm:s3], $0xF7A  }
0x26: {  	[smem:$0x3F9D] =	sst s1;
	(tag) =	ssettag s2;
	_ =	strace s9  }
0x27: {  	s1 =	sld [smem:$0x3FAD]  }
0x28: {  	s2 =	sld [smem:$0x3FAE]  }
0x29: {  	s4 =	sld [smem:$0x3FB0]  }
0x2a: {  	p0 =	seq.s32 s5, $0x0;
	s5 =	sld [smem:$0x3FB1]  }
0x2b: {  	s6 =	sld [smem:$0x3FB2]  }
0x2c: {  	s7 =	sld [smem:$0x3FB3]  }
0x2d: {  	s3 =	simm.s32 $0x108;
	s8 =	sld [smem:$0x3FB4]  }
0x2e: {  	s3 =	simm.s32 @!p0 $0x1082;
	s9 =	sld [smem:$0x3FB5]  }
0x2f: {  	lr =	sadd.s32 s0, s3;
	s0 =	sld [smem:$0x3FAC]  }
0x30: {  	s3 =	sld [smem:$0x3FAF]  }
0x31: {  	[smem:$0x3FB8] =	sst s10  }
0x32: {  	s10 =	sld [smem:$0x3FB6];
	_ =	sdelay $0x3  }
0x33: {  	p0 =	seq.s32 s10, $0x1;
	s10 =	sld [smem:$0x3FB8];
	_ =	sdelay $0x3  }
0x34: {  	[smem:$0x3FB8] =	sst s10  }
0x35: {  	s10 =	sld [smem:$0x3FB7];
	_ =	sdelay $0x3  }
0x36: {  	p1 =	seq.s32 s10, $0x1;
	s10 =	sld [smem:$0x3FB8];
	_ =	sdelay $0x3  }
0x37: {  	[smem:$0x3FB8] =	sst s10  }
0x38: {  	s10 =	sld [smem:$0x3FB9]  }
0x39: {  	_ = 	snop;
	(pc) =	sbr.ind lr, $3  }
0x3a: {  	_ = 	snop  }
0x3b: {  	_ = 	snop  }
0x3c: {  	p2 =	seq.s32 s10, $0x1;
	s10 =	sld [smem:$0x3FB8]  }
0x3d: {  	_ =	shalt  }
0x3e: {  	_ =	shalt  }
0x3f: {  	_ =	shalt  }
0x40: {  	_ =	shalt  }
0x41: {  	_ =	shalt  }
0x42: {  	_ =	shalt  }
0x43: {  	_ =	shalt  }
0x44: {  	_ =	shalt  }
0x45: {  	_ =	shalt  }
0x46: {  	_ =	shalt  }
0x47: {  	_ =	shalt  }
0x48: {  	_ =	shalt  }
0x49: {  	_ =	shalt  }
0x4a: {  	_ =	shalt  }
0x4b: {  	_ =	shalt  }
0x4c: {  	_ =	shalt  }
0x4d: {  	_ =	shalt  }
0x4e: {  	_ =	shalt  }
0x4f: {  	_ =	shalt  }
0x50: {  	_ =	shalt  }
0x51: {  	_ =	shalt  }
0x52: {  	_ =	shalt  }
0x53: {  	_ =	shalt  }
0x54: {  	_ =	shalt  }
0x55: {  	_ =	shalt  }
0x56: {  	_ =	shalt  }
0x57: {  	_ =	shalt  }
0x58: {  	_ =	shalt  }
0x59: {  	_ =	shalt  }
0x5a: {  	_ =	shalt  }
0x5b: {  	_ =	shalt  }
0x5c: {  	_ =	shalt  }
0x5d: {  	_ =	shalt  }
0x5e: {  	_ =	shalt  }
0x5f: {  	_ =	shalt  }
0x60: {  	_ =	shalt  }
0x61: {  	_ =	shalt  }
0x62: {  	_ =	shalt  }
0x63: {  	_ =	shalt  }
0x64: {  	_ =	shalt  }
0x65: {  	_ =	shalt  }
0x66: {  	_ =	shalt  }
0x67: {  	_ =	shalt  }
0x68: {  	_ =	shalt  }
0x69: {  	_ =	shalt  }
0x6a: {  	_ =	shalt  }
0x6b: {  	_ =	shalt  }
0x6c: {  	_ =	shalt  }
0x6d: {  	_ =	shalt  }
0x6e: {  	_ =	shalt  }
0x6f: {  	_ =	shalt  }
0x70: {  	_ =	shalt  }
0x71: {  	_ =	shalt  }
0x72: {  	_ =	shalt  }
0x73: {  	_ =	shalt  }
0x74: {  	_ =	shalt  }
0x75: {  	_ =	shalt  }
0x76: {  	_ =	shalt  }
0x77: {  	_ =	shalt  }
0x78: {  	_ =	shalt  }
0x79: {  	_ =	shalt  }
0x7a: {  	_ =	shalt  }
0x7b: {  	_ =	shalt  }
0x7c: {  	_ =	shalt  }
0x7d: {  	_ =	shalt  }
0x7e: {  	_ =	shalt  }
0x7f: {  	_ =	shalt  }
0x80: {  	_ =	shalt  }
0x81: {  	_ =	shalt  }
0x82: {  	_ =	shalt  }
0x83: {  	_ =	shalt  }
0x84: {  	_ =	shalt  }
0x85: {  	_ =	shalt  }
0x86: {  	_ =	shalt  }
0x87: {  	_ =	shalt  }
.Lfunc_end0:
.L_simem_size_0:
called_computation_lowered:
.L_overlay_start_0:
0x88: {  	s2 =	sld [smem:$0x3FD9]  }
0x89: {  	s3 =	sld [smem:$0x3FFE];
	_ =	sdelay $0x1  }
0x8a: {  	s1 =	srdreg.scid  }
0x8b: {  	s0 =	sand.u32 $0x1, s1  }
0x8c: {  	s17 =	sshll.u32 s0, $0xA;
	s2 =	sadd.s32 s3, s2  }
0x8d: {  	s2 =	sadd.s32 s2, s17  }
0x8e: {  	[smem:$0x3FC4] =	sst s2  }
0x8f: {  	_ = 	snop  }
0x90: {  	s2 =	sld [smem:$0x3FD0];
	(tm) =	ssettm $0x1  }
0x91: {  	s18 =	sld [smem:$0x3FFB];
	_ =	sdelay $0x3  }
0x92: {  	_ =	strace s18  }
0x93: {  	s3 =	sld [smem:$0x3FFC];
	_ =	sdelay $0x3  }
0x94: {  	_ =	strace s3  }
0x95: {  	s3 =	sld [smem:$0x3FFD];
	_ =	sdelay $0x3  }
0x96: {  	_ =	strace s3  }
0x97: {  	_ =	strace $0x8FFFFFFF  }
0x98: {  	s19 =	sld [smem:$0x3FDB];
	_ =	sdelay $0x1  }
0x99: {  	s4 =	simm.s32 $_scs_section_size  }
0x9a: {  	s5 =	simm.s32 $_size__tile_overlayer_lowered;
	s6 =	simm.s32 $_tile_overlayer_lowered  }
0x9b: {  	s22 =	simm.s32 $0x1BFF;
	s21 =	sshll.u32 s6, $0x1;
	s3 =	sadd.s32 s4, s19  }
0x9c: {  	s7 =	simm.s32 $0x0;
	s20 =	sshll.u32 s5, $0x1;
	s5 =	sadd.s32 s21, s3  }
0x9d: {  	[timem:s7], [sflag:s22] =	dma.local [hbm:s5], s20  }
0x9e: {  	_ =	swait.ge [sflag:s22], s20  }
0x9f: {  	s4 =	ssub.s32 $0x0, s20;
	[sflag:s22] =	ssyncset.done $0x0  }
0xa0: {  	[sflag:s22] =	ssyncadd.s32 s4;
	_ =	sdelay $0x1  }
0xa1: {  	s23 =	simm.s32 $0x1B8B  }
0xa2: {  	_ =	swait.ge [sflag:s23], $0x1  }
0xa3: {  	[sflag:s23] =	ssyncset.done $0x0  }
0xa4: {  	s25 =	simm.s32 $0x1B8E;
	s24 =	sld [smem:$0x3FFE];
	[sflag:s23] =	ssyncadd.s32 $0xFFFFFFFF  }
0xa5: {  	s26 =	simm.s32 $execute0_lowered;
	[smem:$0x3FD2] =	sst s25  }
0xa6: {  	s5 =	sshll.u32 s26, $0x1;
	_ =	strace $0x80000046;
	[dreg:$0x1] =	wrdreg $0xFFFFFFFF  }
0xa7: {  	s28 =	simm.s32 $_size_execute0_lowered;
	s3 =	sadd.s32 s3, s5;
	[dreg:$0x0] =	wrdreg $0x0  }
0xa8: {  	s5 =	sshll.u32 s28, $0x1;
	[dreg:$0x2] =	wrdreg s3  }
0xa9: {  	[dreg:$0x3] =	wrdreg s5  }
0xaa: {  	[dreg:$0x4] =	wrdreg $0xC0  }
0xab: {  	_ =	task [dreg:s7], $0x5FFFF  }
0xac: {  	[dreg:$0x1] =	wrdreg $0xFFFFFFFF  }
0xad: {  	[dreg:$0x0] =	wrdreg $0x60  }
0xae: {  	[dreg:$0x2] =	wrdreg s24  }
0xaf: {  	[dreg:$0x3] =	wrdreg s2  }
0xb0: {  	[dreg:$0x4] =	wrdreg $0xA8000  }
0xb1: {  	[dreg:$0x5] =	wrdreg $0x9  }
0xb2: {  	_ =	task.clear_ibuf [dreg:s7], $0x6FFFF;
	_ =	strace $0x90000046  }
0xb3: {  	s29 =	simm.s32 $0x9;
	_ =	strace $0x80000048  }
0xb4: {  	_ =	swait.ge [sflag:s29], $0x1  }
0xb5: {  	[sflag:s29] =	ssyncadd.s32 $0xFFFFFFFF  }
0xb6: {  	_ =	strace $0x90000048  }
0xb7: {  	_ =	sfence  }
0xb8: {  	s30 =	sld [smem:$0x0];
	_ =	sdelay $0x2  }
0xb9: {  	s31 =	sshll.u32 s1, $0xD;
	s1 =	sshrl.u32 s1, $0x2  }
0xba: {  	s3 =	sand.u32 $0x4000, s31;
	s1 =	sadd.s32 s1, s30  }
0xbb: {  	s0 =	sor.u32 s3, s0;
	s1 =	sshll.u32 s1, $0x11  }
0xbc: {  	s0 =	sor.u32 s1, s0  }
0xbd: {  	s0 =	sadd.s32 $0x8F2B, s0  }
0xbe: {  	[sflag:s0] =	ssyncadd.remote.s32 $0x1  }
0xbf: {  	_ =	sfence.sel $0xFFFF  }
0xc0: {  	[dreg:$0x0] =	wrdreg $0xFFFFFFFF;
	(pc) =	sbr.abs _section_cstart, $3  }
0xc1: {  	[dreg:$0x1] =	wrdreg $0xFFFFFFFF  }
0xc2: {  	_ =	task.clear_ibuf [dreg:s7], $0x2FFFF;
	_ =	strace $0x9FFFFFFF  }
0xc3: {  	(tm) =	ssettm $0x7FFFFFFF  }
tec
execute0_lowered:
.L_overlay_start_1:
0x0: {  	(tag) =	ssettag $0x1  }
0x1: {  	s6 =	rddreg [dreg:$0x0]  }
0x2: {  	s2 =	rddreg [dreg:$0x1]  }
0x3: {  	s0 =	srdreg.scid;
	s3 =	rddreg [dreg:$0x2]  }
0x4: {  	s1 =	rddreg [dreg:$0x3];
	s4 =	simm.s32 $0x0;
	s16 =	simm.s32 $0x7D  }
0x5: {  	s17 =	simm.s32 $0x2800;
	s18 =	simm.s32 $0x6800;
	s5 =	sand.u32 $0x1, s0  }
0x6: {  	s19 =	simm.s32 $0x1;
	s0 =	stileid.u32;
	s7 =	smul.u32 $0x28000, s5  }
0x7: {  	s20 =	simm.s32 $0x2;
	s21 =	simm.s32 $0x1380;
	s8 =	smul.u32 $0x2800, s0  }
0x8: {  	s22 =	simm.s32 $0x2700;
	s23 =	simm.s32 $0x2780;
	s9 =	smul.u32 $0x138800, s5  }
0x9: {  	s24 =	simm.s32 $0x0;
	[smem:$0x7FF] =	sst s4;
	s10 =	smul.u32 $0x13800, s0  }
0xa: {  	_ =	strace $0x80000047;
	s26 =	ssub.s32 $0x2, s5;
	s28 =	smul.u32 $0x4E000, s0  }
0xb: {  	s5 =	sadd.s32 $0xF200, s6;
	s31 =	sshll.u32 s0, $0x6;
	s29 =	sshrl.u32 s26, $0x1  }
0xc: {  	s7 =	sadd.s32 s8, s7;
	s8 =	sshrl.u32 s8, $0x3;
	s25 =	sadd.s32 s10, s9  }
0xd: {  	s14 =	ssub.s32 s26, s29;
	s30 =	sshrl.u32 s28, $0x2;
	s7 =	sshrl.u32 s7, $0x3  }
0xe: {  	s12 =	sadd.s32 s8, s6;
	s15 =	sadd.s32 s30, s3;
	s11 =	sadd.s32 s7, s6  }
0xf: {  	s7 =	sshrl.u32 s25, $0x3;
	s9 =	sadd.s32 $0x480, s12;
	s15 =	sshrl.u32 s15, $0x3  }
0x10: {  	s13 =	sadd.s32 s7, s6;
	s6 =	sadd.s32 $0x5200, s11;
	s7 =	sadd.s32 $0x200, s12  }
0x11: {  	s8 =	sadd.s32 $0x5480, s11;
	s11 =	smax.u32 s14, $0x1;
	s12 =	simm.s32 $0x3  }
0x12: {  	s14 =	sor.u32 $0x1C03, s31;
	s10 =	sadd.s32 $0x11A00, s13;
	s13 =	simm.s32 $0x1400  }
.LBB2_1:
0x13: {  	[tilespmem:s4], [sflag:$0x3] =	stream.linear.gather [hbm4b:s6+s4], $0x1400, $0x38;
	[tilespmem:$0x1E080] =	vst v63  }
0x14: {  	_ =	swait.ge [sflag:s12], $0x1400  }
0x15: {  	[sflag:s12] =	ssyncset.done $0x0  }
0x16: {  	[sflag:s12] =	ssyncadd.s32 $0xFFFFEC00  }
0x17: {  	[tilespmem:s13], [sflag:$0x3] =	stream.linear.gather [hbm4b:s7+s4], $0x1400, $0x38;
	[tilespmem:$0x1E080] =	vst v63  }
0x18: {  	_ =	swait.ge [sflag:s12], $0x1400  }
0x19: {  	[sflag:s12] =	ssyncset.done $0x0  }
0x1a: {  	[sflag:s12] =	ssyncadd.s32 $0xFFFFEC00  }
0x1b: {  	[spmem:s15], [sflag:s14] =	dma.local [hbm:s5], $0x2800  }
0x1c: {  	_ =	swait.ge [sflag:s12], $0x2800  }
0x1d: {  	[sflag:s12] =	ssyncset.done $0x0  }
0x1e: {  	[sflag:s12] =	ssyncadd.s32 $0xFFFFD800  }
0x1f: {  	[bflag:$0x0] =	sbarrier.arrive $0xFFFF  }
0x20: {  	[tilespmem:s17], [sflag:$0x1] =	stream.indirect.gather [hbm4b:s2+s16], $0x80, s4, s16, $0xb8;
	[tilespmem:$0x1E080] =	vst v63  }
0x21: {  	s25 =	simm.s32 $0x80  }
0x22: {  	[tilespmem:s18], [sflag:$0x2] =	stream.indirect.gather [hbm4b:s2+s16], $0x80, s25, s16, $0xb8;
	[tilespmem:$0x1E080] =	vst v63  }
0x23: {  	_ =	swait.ge [sflag:s19], $0x3E80  }
0x24: {  	[sflag:s19] =	ssyncset.done $0x0  }
0x25: {  	s29 =	simm.s32 $0x1400;
	[sflag:s19] =	ssyncadd.s32 $0xFFFFC180  }
0x26: {  	[spmem:s3] =	stream.indirect.scatter.add.f32 [tilespmem:s17], [sflag:$0x3], $0x80, s29, s16, $0xb8;
	[tilespmem:$0x1E080] =	vst v63  }
0x27: {  	_ =	swait.ge [sflag:s12], $0x3E80  }
0x28: {  	[sflag:s12] =	ssyncset.done $0x0  }
0x29: {  	s30 =	simm.s32 $0x100;
	[sflag:s12] =	ssyncadd.s32 $0xFFFFC180  }
0x2a: {  	[tilespmem:s17], [sflag:$0x1] =	stream.indirect.gather [hbm4b:s2+s16], $0x80, s30, s16, $0xb8;
	[tilespmem:$0x1E080] =	vst v63  }
0x2b: {  	_ =	swait.ge [sflag:s20], $0x3E80  }
0x2c: {  	[sflag:s20] =	ssyncset.done $0x0  }
0x2d: {  	s31 =	simm.s32 $0x1480;
	[sflag:s20] =	ssyncadd.s32 $0xFFFFC180  }
0x2e: {  	[spmem:s3] =	stream.indirect.scatter.add.f32 [tilespmem:s18], [sflag:$0x3], $0x80, s31, s16, $0xb8;
	[tilespmem:$0x1E080] =	vst v63  }
0x2f: {  	_ =	swait.ge [sflag:s12], $0x3E80  }
0x30: {  	s26 =	simm.s32 $0x800;
	s25 =	simm.s32 $0x100;
	[sflag:s12] =	ssyncset.done $0x0  }
.LBB2_2:
0x31: {  	s28 =	sadd.s32 $0x80, s25  }
0x32: {  	[sflag:s12] =	ssyncadd.s32 $0xFFFFC180;
	s29 =	smov.u32 s26;
	s30 =	sadd.s32 $0x400, s26  }
0x33: {  	[tilespmem:s18], [sflag:$0x2] =	stream.indirect.gather [hbm4b:s2+s16], $0x80, s28, s16, $0xb8;
	[tilespmem:$0x1E080] =	vst v63  }
0x34: {  	p0 =	sne.s32 s26, $0x4800;
	_ =	swait.ge [sflag:s19], $0x3E80  }
0x35: {  	[sflag:s19] =	ssyncset.done $0x0  }
0x36: {  	s26 =	sadd.s32 $0x1400, s25;
	[sflag:s19] =	ssyncadd.s32 $0xFFFFC180  }
0x37: {  	[spmem:s3] =	stream.indirect.scatter.add.f32 [tilespmem:s17], [sflag:$0x3], $0x80, s26, s16, $0xb8;
	[tilespmem:$0x1E080] =	vst v63  }
0x38: {  	_ =	swait.ge [sflag:s12], $0x3E80  }
0x39: {  	[sflag:s12] =	ssyncset.done $0x0  }
0x3a: {  	s26 =	sadd.s32 $0x100, s25;
	[sflag:s12] =	ssyncadd.s32 $0xFFFFC180  }
0x3b: {  	[tilespmem:s17], [sflag:$0x1] =	stream.indirect.gather [hbm4b:s2+s16], $0x80, s26, s16, $0xb8;
	[tilespmem:$0x1E080] =	vst v63  }
0x3c: {  	_ =	swait.ge [sflag:s20], $0x3E80  }
.Ltmp0:
0x3d: {  	[sflag:s20] =	ssyncset.done $0x0;
	(pc) =	sbr.rel @p0 .LBB2_2-.Ltmp0, $4  }
0x3e: {  	s25 =	sadd.s32 $0x1480, s25;
	[sflag:s20] =	ssyncadd.s32 $0xFFFFC180  }
0x3f: {  	[spmem:s3] =	stream.indirect.scatter.add.f32 [tilespmem:s18], [sflag:$0x3], $0x80, s25, s16, $0xb8;
	[tilespmem:$0x1E080] =	vst v63  }
0x40: {  	_ =	swait.ge [sflag:s12], $0x3E80  }
0x41: {  	s26 =	smov.u32 s30;
	s25 =	sshra.s32 s29, $0x2;
	[sflag:s12] =	ssyncset.done $0x0  }
0x42: {  	s26 =	sadd.s32 $0x80, s25;
	[sflag:s12] =	ssyncadd.s32 $0xFFFFC180  }
0x43: {  	[tilespmem:s18], [sflag:$0x2] =	stream.indirect.gather [hbm4b:s2+s16], $0x80, s26, s16, $0xb8;
	[tilespmem:$0x1E080] =	vst v63  }
0x44: {  	_ =	swait.ge [sflag:s19], $0x3E80  }
0x45: {  	[sflag:s19] =	ssyncset.done $0x0  }
0x46: {  	s29 =	sadd.s32 $0x1400, s25;
	[sflag:s19] =	ssyncadd.s32 $0xFFFFC180  }
0x47: {  	[spmem:s3] =	stream.indirect.scatter.add.f32 [tilespmem:s17], [sflag:$0x3], $0x80, s29, s16, $0xb8;
	[tilespmem:$0x1E080] =	vst v63  }
0x48: {  	_ =	swait.ge [sflag:s12], $0x3E80  }
0x49: {  	[sflag:s12] =	ssyncset.done $0x0  }
0x4a: {  	s30 =	sadd.s32 $0x100, s25;
	[sflag:s12] =	ssyncadd.s32 $0xFFFFC180  }
0x4b: {  	[tilespmem:s17], [sflag:$0x1] =	stream.indirect.gather [hbm4b:s2+s16], $0x80, s30, s16, $0xb8;
	[tilespmem:$0x1E080] =	vst v63  }
0x4c: {  	_ =	swait.ge [sflag:s20], $0x3E80  }
0x4d: {  	[sflag:s20] =	ssyncset.done $0x0  }
0x4e: {  	s31 =	sadd.s32 $0x1480, s25;
	[sflag:s20] =	ssyncadd.s32 $0xFFFFC180  }
0x4f: {  	[spmem:s3] =	stream.indirect.scatter.add.f32 [tilespmem:s18], [sflag:$0x3], $0x80, s31, s16, $0xb8;
	[tilespmem:$0x1E080] =	vst v63  }
0x50: {  	_ =	swait.ge [sflag:s12], $0x3E80  }
0x51: {  	[sflag:s12] =	ssyncset.done $0x0  }
0x52: {  	[sflag:s12] =	ssyncadd.s32 $0xFFFFC180  }
0x53: {  	[tilespmem:s18], [sflag:$0x2] =	stream.indirect.gather [hbm4b:s2+s16], $0x80, s21, s16, $0xb8;
	[tilespmem:$0x1E080] =	vst v63  }
0x54: {  	_ =	swait.ge [sflag:s19], $0x3E80  }
0x55: {  	[sflag:s19] =	ssyncset.done $0x0  }
0x56: {  	[sflag:s19] =	ssyncadd.s32 $0xFFFFC180  }
0x57: {  	[spmem:s3] =	stream.indirect.scatter.add.f32 [tilespmem:s17], [sflag:$0x3], $0x80, s22, s16, $0xb8;
	[tilespmem:$0x1E080] =	vst v63  }
0x58: {  	_ =	swait.ge [sflag:s12], $0x3E80  }
0x59: {  	[sflag:s12] =	ssyncset.done $0x0  }
0x5a: {  	[sflag:s12] =	ssyncadd.s32 $0xFFFFC180  }
0x5b: {  	[tilespmem:s17], [sflag:$0x1] =	stream.indirect.gather [hbm4b:s2+s16], $0x80, s21, s16, $0xb8;
	[tilespmem:$0x1E080] =	vst v63  }
0x5c: {  	_ =	swait.ge [sflag:s20], $0x3E80  }
0x5d: {  	[sflag:s20] =	ssyncset.done $0x0  }
0x5e: {  	[sflag:s20] =	ssyncadd.s32 $0xFFFFC180  }
0x5f: {  	[spmem:s3] =	stream.indirect.scatter.add.f32 [tilespmem:s18], [sflag:$0x3], $0x80, s23, s16, $0xb8;
	[tilespmem:$0x1E080] =	vst v63  }
0x60: {  	_ =	swait.ge [sflag:s12], $0x3E80  }
0x61: {  	[sflag:s12] =	ssyncset.done $0x0  }
0x62: {  	[sflag:s12] =	ssyncadd.s32 $0xFFFFC180  }
0x63: {  	_ =	swait.ge [sflag:s19], $0x3E80  }
0x64: {  	[sflag:s19] =	ssyncset.done $0x0  }
0x65: {  	s26 =	simm.s32 $0x0;
	[sflag:s19] =	ssyncadd.s32 $0xFFFFC180  }
0x66: {  	[tilespmem:s26], [sflag:$0x3] =	stream.linear.gather [hbm4b:s8+s26], $0x1400, $0x38;
	[tilespmem:$0x1E080] =	vst v63  }
0x67: {  	_ =	swait.ge [sflag:s12], $0x1400  }
0x68: {  	[sflag:s12] =	ssyncset.done $0x0  }
0x69: {  	[sflag:s12] =	ssyncadd.s32 $0xFFFFEC00  }
0x6a: {  	[tilespmem:s13], [sflag:$0x3] =	stream.linear.gather [hbm4b:s9+s26], $0x1400, $0x38;
	[tilespmem:$0x1E080] =	vst v63  }
0x6b: {  	_ =	swait.ge [sflag:s12], $0x1400  }
0x6c: {  	[sflag:s12] =	ssyncset.done $0x0  }
0x6d: {  	[sflag:s12] =	ssyncadd.s32 $0xFFFFEC00  }
0x6e: {  	[tilespmem:s17], [sflag:$0x1] =	stream.indirect.gather [hbm4b:s2+s16], $0x80, s26, s16, $0xb8;
	[tilespmem:$0x1E080] =	vst v63  }
0x6f: {  	s28 =	simm.s32 $0x80  }
0x70: {  	[tilespmem:s18], [sflag:$0x2] =	stream.indirect.gather [hbm4b:s2+s16], $0x80, s28, s16, $0xb8;
	[tilespmem:$0x1E080] =	vst v63  }
0x71: {  	_ =	swait.ge [sflag:s19], $0x3E80  }
0x72: {  	[sflag:s19] =	ssyncset.done $0x0  }
0x73: {  	s29 =	simm.s32 $0x1400;
	[sflag:s19] =	ssyncadd.s32 $0xFFFFC180  }
0x74: {  	[spmem:s3] =	stream.indirect.scatter.add.f32 [tilespmem:s17], [sflag:$0x3], $0x80, s29, s16, $0xb8;
	[tilespmem:$0x1E080] =	vst v63  }
0x75: {  	_ =	swait.ge [sflag:s12], $0x3E80  }
0x76: {  	[sflag:s12] =	ssyncset.done $0x0  }
0x77: {  	s30 =	simm.s32 $0x100;
	[sflag:s12] =	ssyncadd.s32 $0xFFFFC180  }
0x78: {  	[tilespmem:s17], [sflag:$0x1] =	stream.indirect.gather [hbm4b:s2+s16], $0x80, s30, s16, $0xb8;
	[tilespmem:$0x1E080] =	vst v63  }
0x79: {  	_ =	swait.ge [sflag:s20], $0x3E80  }
0x7a: {  	[sflag:s20] =	ssyncset.done $0x0  }
0x7b: {  	s31 =	simm.s32 $0x1480;
	[sflag:s20] =	ssyncadd.s32 $0xFFFFC180  }
0x7c: {  	[spmem:s3] =	stream.indirect.scatter.add.f32 [tilespmem:s18], [sflag:$0x3], $0x80, s31, s16, $0xb8;
	[tilespmem:$0x1E080] =	vst v63  }
0x7d: {  	_ =	swait.ge [sflag:s12], $0x3E80  }
0x7e: {  	s25 =	simm.s32 $0x100;
	s26 =	simm.s32 $0x800;
	[sflag:s12] =	ssyncset.done $0x0  }
.LBB2_4:
0x7f: {  	s28 =	sadd.s32 $0x80, s25  }
0x80: {  	[sflag:s12] =	ssyncadd.s32 $0xFFFFC180;
	s29 =	smov.u32 s26;
	s30 =	sadd.s32 $0x400, s26  }
0x81: {  	[tilespmem:s18], [sflag:$0x2] =	stream.indirect.gather [hbm4b:s2+s16], $0x80, s28, s16, $0xb8;
	[tilespmem:$0x1E080] =	vst v63  }
0x82: {  	p0 =	sne.s32 s26, $0x4800;
	_ =	swait.ge [sflag:s19], $0x3E80  }
0x83: {  	[sflag:s19] =	ssyncset.done $0x0  }
0x84: {  	s26 =	sadd.s32 $0x1400, s25;
	[sflag:s19] =	ssyncadd.s32 $0xFFFFC180  }
0x85: {  	[spmem:s3] =	stream.indirect.scatter.add.f32 [tilespmem:s17], [sflag:$0x3], $0x80, s26, s16, $0xb8;
	[tilespmem:$0x1E080] =	vst v63  }
0x86: {  	_ =	swait.ge [sflag:s12], $0x3E80  }
0x87: {  	[sflag:s12] =	ssyncset.done $0x0  }
0x88: {  	s26 =	sadd.s32 $0x100, s25;
	[sflag:s12] =	ssyncadd.s32 $0xFFFFC180  }
0x89: {  	[tilespmem:s17], [sflag:$0x1] =	stream.indirect.gather [hbm4b:s2+s16], $0x80, s26, s16, $0xb8;
	[tilespmem:$0x1E080] =	vst v63  }
0x8a: {  	_ =	swait.ge [sflag:s20], $0x3E80  }
.Ltmp1:
0x8b: {  	[sflag:s20] =	ssyncset.done $0x0;
	(pc) =	sbr.rel @p0 .LBB2_4-.Ltmp1, $4  }
0x8c: {  	s25 =	sadd.s32 $0x1480, s25;
	[sflag:s20] =	ssyncadd.s32 $0xFFFFC180  }
0x8d: {  	[spmem:s3] =	stream.indirect.scatter.add.f32 [tilespmem:s18], [sflag:$0x3], $0x80, s25, s16, $0xb8;
	[tilespmem:$0x1E080] =	vst v63  }
0x8e: {  	_ =	swait.ge [sflag:s12], $0x3E80  }
0x8f: {  	s26 =	smov.u32 s30;
	s25 =	sshra.s32 s29, $0x2;
	[sflag:s12] =	ssyncset.done $0x0  }
0x90: {  	s26 =	sadd.s32 $0x80, s25;
	[sflag:s12] =	ssyncadd.s32 $0xFFFFC180  }
0x91: {  	[tilespmem:s18], [sflag:$0x2] =	stream.indirect.gather [hbm4b:s2+s16], $0x80, s26, s16, $0xb8;
	[tilespmem:$0x1E080] =	vst v63  }
0x92: {  	_ =	swait.ge [sflag:s19], $0x3E80  }
0x93: {  	[sflag:s19] =	ssyncset.done $0x0  }
0x94: {  	s29 =	sadd.s32 $0x1400, s25;
	[sflag:s19] =	ssyncadd.s32 $0xFFFFC180  }
0x95: {  	[spmem:s3] =	stream.indirect.scatter.add.f32 [tilespmem:s17], [sflag:$0x3], $0x80, s29, s16, $0xb8;
	[tilespmem:$0x1E080] =	vst v63  }
0x96: {  	_ =	swait.ge [sflag:s12], $0x3E80  }
0x97: {  	[sflag:s12] =	ssyncset.done $0x0  }
0x98: {  	s30 =	sadd.s32 $0x100, s25;
	[sflag:s12] =	ssyncadd.s32 $0xFFFFC180  }
0x99: {  	[tilespmem:s17], [sflag:$0x1] =	stream.indirect.gather [hbm4b:s2+s16], $0x80, s30, s16, $0xb8;
	[tilespmem:$0x1E080] =	vst v63  }
0x9a: {  	_ =	swait.ge [sflag:s20], $0x3E80  }
0x9b: {  	[sflag:s20] =	ssyncset.done $0x0  }
0x9c: {  	s31 =	sadd.s32 $0x1480, s25;
	[sflag:s20] =	ssyncadd.s32 $0xFFFFC180  }
0x9d: {  	[spmem:s3] =	stream.indirect.scatter.add.f32 [tilespmem:s18], [sflag:$0x3], $0x80, s31, s16, $0xb8;
	[tilespmem:$0x1E080] =	vst v63  }
0x9e: {  	_ =	swait.ge [sflag:s12], $0x3E80  }
0x9f: {  	[sflag:s12] =	ssyncset.done $0x0  }
0xa0: {  	[sflag:s12] =	ssyncadd.s32 $0xFFFFC180  }
0xa1: {  	[tilespmem:s18], [sflag:$0x2] =	stream.indirect.gather [hbm4b:s2+s16], $0x80, s21, s16, $0xb8;
	[tilespmem:$0x1E080] =	vst v63  }
0xa2: {  	_ =	swait.ge [sflag:s19], $0x3E80  }
0xa3: {  	[sflag:s19] =	ssyncset.done $0x0  }
0xa4: {  	[sflag:s19] =	ssyncadd.s32 $0xFFFFC180  }
0xa5: {  	[spmem:s3] =	stream.indirect.scatter.add.f32 [tilespmem:s17], [sflag:$0x3], $0x80, s22, s16, $0xb8;
	[tilespmem:$0x1E080] =	vst v63  }
0xa6: {  	_ =	swait.ge [sflag:s12], $0x3E80  }
0xa7: {  	[sflag:s12] =	ssyncset.done $0x0  }
0xa8: {  	[sflag:s12] =	ssyncadd.s32 $0xFFFFC180  }
0xa9: {  	[tilespmem:s17], [sflag:$0x1] =	stream.indirect.gather [hbm4b:s2+s16], $0x80, s21, s16, $0xb8;
	[tilespmem:$0x1E080] =	vst v63  }
0xaa: {  	_ =	swait.ge [sflag:s20], $0x3E80  }
0xab: {  	[sflag:s20] =	ssyncset.done $0x0  }
0xac: {  	[sflag:s20] =	ssyncadd.s32 $0xFFFFC180  }
0xad: {  	[spmem:s3] =	stream.indirect.scatter.add.f32 [tilespmem:s18], [sflag:$0x3], $0x80, s23, s16, $0xb8;
	[tilespmem:$0x1E080] =	vst v63  }
0xae: {  	_ =	swait.ge [sflag:s12], $0x3E80  }
0xaf: {  	[sflag:s12] =	ssyncset.done $0x0  }
0xb0: {  	[sflag:s12] =	ssyncadd.s32 $0xFFFFC180  }
0xb1: {  	_ =	swait.ge [sflag:s19], $0x3E80  }
0xb2: {  	s24 =	sadd.s32 $0x1, s24;
	[sflag:s19] =	ssyncset.done $0x0  }
0xb3: {  	p0 =	sne.s32 s24, s11;
	[sflag:s19] =	ssyncadd.s32 $0xFFFFC180  }
.Ltmp2:
0xb4: {  	[bflag:$0x0] =	sbarrier.arrive $0xFFFF;
	(pc) =	sbr.rel @p0 .LBB2_1-.Ltmp2, $4  }
0xb5: {  	[hbm:s10], [sflag:s14] =	dma.local [spmem:s15], $0x2800  }
0xb6: {  	_ =	swait.ge [sflag:s12], $0x2800  }
0xb7: {  	[sflag:s12] =	ssyncset.done $0x0  }
0xb8: {  	[sflag:s12] =	ssyncadd.s32 $0xFFFFD800  }
0xb9: {  	_ =	sfence.sel $0x180000  }
0xba: {  	[bflag:$0x0] =	sbarrier.arrive $0xFFFF  }
0xbb: {  	p0 =	sne.s32 s0, $0x0;
	_ =	strace $0x90000047  }
0xbc: {  	s0 =	sadd.s32 @!p0 $0x100000, s1;
	[bflag:$0x2] =	sbarrier.arrive $0xFFFF  }
0xbd: {  	[sflag:s0] =	ssyncadd.tile.s32 @!p0 $0x1;
	_ =	shalt  }
.Lfunc_end2:
_tile_overlayer_lowered:
.L_overlay_start_2:
0xbe: {  	(tag) =	ssettag $0x2  }
0xbf: {  	s0 =	rddreg [dreg:$0x0];
	s2 =	stileid.u32  }
0xc0: {  	s1 =	rddreg [dreg:$0x1];
	p0 =	sne.s32 s2, $0x0  }
0xc1: {  	s3 =	rddreg [dreg:$0x2];
	[bflag:$0x3] =	sbarrier.arrive $0xFFFF;
	s2 =	simm.s32 @!p0 $0x1C03  }
0xc2: {  	[timem:s3], [sflag:s2] =	dma.local @!p0 [hbm:s0], s1  }
0xc3: {  	s0 =	simm.s32 @!p0 $0x3  }
0xc4: {  	_ =	swait.ge @!p0 [sflag:s0], s1  }
0xc5: {  	s1 =	ssub.s32 @!p0 $0x0, s1;
	[sflag:s0] =	ssyncset.done @!p0 $0x0  }
0xc6: {  	[sflag:s0] =	ssyncadd.s32 @!p0 s1  }
0xc7: {  	[bflag:$0x3] =	sbarrier.arrive $0xFFFF  }
0xc8: {  	_ =	shalt  }

</sc_bundles>
